<compile_context>
chip_gen: v7x
topology: tpu7x:2x2x1
jax: 0.10.2.dev20260603
libtpu: 0.0.44.dev20260713+nightly
codegen_flags: <defaults>
</compile_context>

<pallas_src>
import functools

import jax
import jax.numpy as jnp
from jax import lax
from jax.experimental import pallas as pl
from jax.experimental.pallas import tpu as pltpu
from jax.experimental.pallas import tpu_sc as plsc

NBUF = 8

_NUM_CORES = 2
_NUM_SUBCORES = 16
_NW = _NUM_CORES * _NUM_SUBCORES


@functools.cache
def _build(bsz: int, fields: int, dim: int):
    n_rows = bsz * fields
    chunk = (128 // fields) * fields
    n_chunks = n_rows // chunk
    assert n_rows % chunk == 0 and n_chunks % _NW == 0
    nchunks_w = n_chunks // _NW
    assert nchunks_w % NBUF == 0

    scratch = [pltpu.VMEM((nchunks_w, chunk), jnp.int32)]
    scratch += [pltpu.VMEM((chunk, dim), jnp.float32) for _ in range(NBUF)]
    scratch += [pltpu.SemaphoreType.DMA for _ in range(NBUF)]

    @functools.partial(
        pl.kernel,
        mesh=plsc.VectorSubcoreMesh(core_axis_name="c", subcore_axis_name="s"),
        out_type=jax.ShapeDtypeStruct((n_chunks, chunk, dim), jnp.float32),
        scratch_types=scratch,
        compiler_params=pltpu.CompilerParams(use_tc_tiling_on_sc=False),
    )
    def emb(idx_hbm, table_hbm, out_hbm, idx_v, *rest):
        bufs = rest[:NBUF]
        sems = rest[NBUF:]
        wid = lax.axis_index("s") * _NUM_CORES + lax.axis_index("c")
        chunk0 = wid * nchunks_w

        pltpu.sync_copy(idx_hbm.at[pl.ds(chunk0, nchunks_w)], idx_v)

        for b in range(NBUF):
            pltpu.async_copy(table_hbm.at[idx_v.at[b]], bufs[b], sems[b])

        def round_(i, carry):
            for b in range(NBUF):
                j = i * NBUF + b
                pltpu.make_async_copy(
                    table_hbm.at[idx_v.at[j]], bufs[b], sems[b]).wait()
                pltpu.sync_copy(bufs[b], out_hbm.at[chunk0 + j])
                nxt = j + NBUF

                @pl.when(nxt < nchunks_w)
                def _():
                    pltpu.async_copy(
                        table_hbm.at[idx_v.at[nxt]], bufs[b], sems[b])
            return carry

        lax.fori_loop(0, nchunks_w // NBUF, round_, 0)

    return emb, chunk, n_chunks


def kernel(token_ids, embedding):
    bsz, fields = token_ids.shape
    _, dim = embedding.shape
    emb, chunk, n_chunks = _build(bsz, fields, dim)
    idx = token_ids.reshape(n_chunks, chunk).astype(jnp.int32)
    out = emb(idx, embedding)
    return out.reshape(bsz, fields, dim)

# --- scband reference (transcript-rebuilt; emitter-appended) ---
"""Pipeline reference for scband-embedding-6030134084320 (READ-ONLY COPY).

The authoritative reference and input builder live on the scoring server;
editing this copy changes nothing except your own understanding.
"""

import jax, jax.numpy as jnp
import numpy as np

NUM_EMBEDDINGS = 1000000
EMBEDDING_DIM = 64
BATCH = 16384
FIELDS = 26

def setup_inputs(seed: int = 0) -> dict:
    key = jax.random.key(seed)
    k1, k2 = jax.random.split(key)
    token_ids = jax.random.randint(k1, (BATCH, FIELDS), 0, NUM_EMBEDDINGS, dtype=jnp.int64 if jax.config.read('jax_enable_x64') else jnp.int32)
    # trunc_normal(mean=0, std=1, a=-3, b=3)
    embedding = jax.random.truncated_normal(k2, -3.0, 3.0, (NUM_EMBEDDINGS, EMBEDDING_DIM), dtype=jnp.float32)
    return {"token_ids": token_ids, "embedding": embedding}

def reference(token_ids, embedding):
    # equivalent to self.embedding[token_ids]
    return jnp.take(embedding, token_ids, axis=0)

if __name__ == "__main__":
    import jax
    _d = setup_inputs()
    print(jax.jit(kernel)(*tuple(_d.values())))

</pallas_src>

<mosaic_0001>
#map = affine_map<(d0, d1) -> (0, 0)>
#map1 = affine_map<(d0, d1) -> (0, 0, 0)>
module attributes {stable_mosaic.version = 14 : i64} {
  func.func @emb(%arg0: i32, %arg1: i32, %arg2: memref<4096x104xi32, #tpu.memory_space<hbm>>, %arg3: memref<1000000x64xf32, #tpu.memory_space<hbm>>, %arg4: memref<4096x104x64xf32, #tpu.memory_space<hbm>>, %arg5: memref<128x104xi32, #tpu.memory_space<vmem>>, %arg6: memref<104x64xf32, #tpu.memory_space<vmem>>, %arg7: memref<104x64xf32, #tpu.memory_space<vmem>>, %arg8: memref<104x64xf32, #tpu.memory_space<vmem>>, %arg9: memref<104x64xf32, #tpu.memory_space<vmem>>, %arg10: memref<104x64xf32, #tpu.memory_space<vmem>>, %arg11: memref<104x64xf32, #tpu.memory_space<vmem>>, %arg12: memref<104x64xf32, #tpu.memory_space<vmem>>, %arg13: memref<104x64xf32, #tpu.memory_space<vmem>>, %arg14: memref<!tpu.dma_semaphore, #tpu.memory_space<semaphore_mem>>, %arg15: memref<!tpu.dma_semaphore, #tpu.memory_space<semaphore_mem>>, %arg16: memref<!tpu.dma_semaphore, #tpu.memory_space<semaphore_mem>>, %arg17: memref<!tpu.dma_semaphore, #tpu.memory_space<semaphore_mem>>, %arg18: memref<!tpu.dma_semaphore, #tpu.memory_space<semaphore_mem>>, %arg19: memref<!tpu.dma_semaphore, #tpu.memory_space<semaphore_mem>>, %arg20: memref<!tpu.dma_semaphore, #tpu.memory_space<semaphore_mem>>, %arg21: memref<!tpu.dma_semaphore, #tpu.memory_space<semaphore_mem>>) attributes {dimension_semantics = [#tpu.dimension_semantics<core_parallel>, #tpu.dimension_semantics<subcore_parallel>], iteration_bounds = array<i64: 2, 16>, scalar_prefetch = 0 : i64, scratch_operands = 17 : i64, tpu.core_type = #tpu.core_type<sc_vector_subcore>, window_params = [{transform_indices = #map}, {transform_indices = #map}, {transform_indices = #map1}]} {
    %mul3A = arith.constant 2 : i32
    %mul3A_0 = arith.muli %arg1, %mul3A : i32
    %add3A = arith.addi %mul3A_0, %arg0 : i32
    %mul3A_1 = arith.constant 128 : i32
    %mul3A_2 = arith.muli %add3A, %mul3A_1 : i32
    "tpu.region"() ({
      %run_scoped3A = tpu.sem_alloc : memref<!tpu.dma_semaphore, #tpu.memory_space<semaphore_mem>>
      %dma_start3A_63 = arith.constant 0 : i32
      %dma_start3A_64 = tpu.memref_slice %arg2[%mul3A_2, %dma_start3A_63] : memref<4096x104xi32, #tpu.memory_space<hbm>> -> memref<128x104xi32, #tpu.memory_space<hbm>>
      %dma_start3A_65 = arith.constant 0 : i32
      %dma_start3A_66 = tpu.memref_slice %arg2[%mul3A_2, %dma_start3A_65] : memref<4096x104xi32, #tpu.memory_space<hbm>> -> memref<128x104xi32, #tpu.memory_space<hbm>>
      tpu.enqueue_dma source(%dma_start3A_66 : memref<128x104xi32, #tpu.memory_space<hbm>>) target(%arg5 : memref<128x104xi32, #tpu.memory_space<vmem>>) target_semaphore(%run_scoped3A : memref<!tpu.dma_semaphore, #tpu.memory_space<semaphore_mem>>)
      %dma_wait3A = arith.constant 0 : i32
      %dma_wait3A_67 = tpu.memref_slice %arg2[%mul3A_2, %dma_wait3A] : memref<4096x104xi32, #tpu.memory_space<hbm>> -> memref<128x104xi32, #tpu.memory_space<hbm>>
      %dma_wait3A_68 = arith.constant 0 : i32
      %dma_wait3A_69 = tpu.memref_slice %arg2[%mul3A_2, %dma_wait3A_68] : memref<4096x104xi32, #tpu.memory_space<hbm>> -> memref<128x104xi32, #tpu.memory_space<hbm>>
      tpu.wait_dma2 semaphore(%run_scoped3A : memref<!tpu.dma_semaphore, #tpu.memory_space<semaphore_mem>>) src(%dma_wait3A_69 : memref<128x104xi32, #tpu.memory_space<hbm>>) dst(%arg5 : memref<128x104xi32, #tpu.memory_space<vmem>>)
      tpu.yield
    }) : () -> ()
    %dma_start3A = arith.constant 0 : i32
    %dma_start3A_3 = arith.constant 0 : i32
    %dma_start3A_4 = tpu.memref_slice %arg5[%dma_start3A, %dma_start3A_3] : memref<128x104xi32, #tpu.memory_space<vmem>> -> memref<1x104xi32, #tpu.memory_space<vmem>>
    %dma_start3A_5 = tpu.memref_squeeze %dma_start3A_4 : memref<1x104xi32, #tpu.memory_space<vmem>> -> memref<104xi32, #tpu.memory_space<vmem>>
    %dma_start3A_6 = arith.constant 0 : i32
    %dma_start3A_7 = arith.constant 0 : i32
    %dma_start3A_8 = tpu.memref_slice %arg3[%dma_start3A_6, %dma_start3A_7] : memref<1000000x64xf32, #tpu.memory_space<hbm>> -> memref<1000000x64xf32, #tpu.memory_space<hbm>>
    tpu.enqueue_indirect_dma source(%dma_start3A_8 : memref<1000000x64xf32, #tpu.memory_space<hbm>>) target(%arg6 : memref<104x64xf32, #tpu.memory_space<vmem>>) offsets(%dma_start3A_5 : memref<104xi32, #tpu.memory_space<vmem>>) semaphore(%arg14 : memref<!tpu.dma_semaphore, #tpu.memory_space<semaphore_mem>>)
    %dma_start3A_9 = arith.constant 1 : i32
    %dma_start3A_10 = arith.constant 0 : i32
    %dma_start3A_11 = tpu.memref_slice %arg5[%dma_start3A_9, %dma_start3A_10] : memref<128x104xi32, #tpu.memory_space<vmem>> -> memref<1x104xi32, #tpu.memory_space<vmem>>
    %dma_start3A_12 = tpu.memref_squeeze %dma_start3A_11 : memref<1x104xi32, #tpu.memory_space<vmem>> -> memref<104xi32, #tpu.memory_space<vmem>>
    %dma_start3A_13 = arith.constant 0 : i32
    %dma_start3A_14 = arith.constant 0 : i32
    %dma_start3A_15 = tpu.memref_slice %arg3[%dma_start3A_13, %dma_start3A_14] : memref<1000000x64xf32, #tpu.memory_space<hbm>> -> memref<1000000x64xf32, #tpu.memory_space<hbm>>
    tpu.enqueue_indirect_dma source(%dma_start3A_15 : memref<1000000x64xf32, #tpu.memory_space<hbm>>) target(%arg7 : memref<104x64xf32, #tpu.memory_space<vmem>>) offsets(%dma_start3A_12 : memref<104xi32, #tpu.memory_space<vmem>>) semaphore(%arg15 : memref<!tpu.dma_semaphore, #tpu.memory_space<semaphore_mem>>)
    %dma_start3A_16 = arith.constant 2 : i32
    %dma_start3A_17 = arith.constant 0 : i32
    %dma_start3A_18 = tpu.memref_slice %arg5[%dma_start3A_16, %dma_start3A_17] : memref<128x104xi32, #tpu.memory_space<vmem>> -> memref<1x104xi32, #tpu.memory_space<vmem>>
    %dma_start3A_19 = tpu.memref_squeeze %dma_start3A_18 : memref<1x104xi32, #tpu.memory_space<vmem>> -> memref<104xi32, #tpu.memory_space<vmem>>
    %dma_start3A_20 = arith.constant 0 : i32
    %dma_start3A_21 = arith.constant 0 : i32
    %dma_start3A_22 = tpu.memref_slice %arg3[%dma_start3A_20, %dma_start3A_21] : memref<1000000x64xf32, #tpu.memory_space<hbm>> -> memref<1000000x64xf32, #tpu.memory_space<hbm>>
    tpu.enqueue_indirect_dma source(%dma_start3A_22 : memref<1000000x64xf32, #tpu.memory_space<hbm>>) target(%arg8 : memref<104x64xf32, #tpu.memory_space<vmem>>) offsets(%dma_start3A_19 : memref<104xi32, #tpu.memory_space<vmem>>) semaphore(%arg16 : memref<!tpu.dma_semaphore, #tpu.memory_space<semaphore_mem>>)
    %dma_start3A_23 = arith.constant 3 : i32
    %dma_start3A_24 = arith.constant 0 : i32
    %dma_start3A_25 = tpu.memref_slice %arg5[%dma_start3A_23, %dma_start3A_24] : memref<128x104xi32, #tpu.memory_space<vmem>> -> memref<1x104xi32, #tpu.memory_space<vmem>>
    %dma_start3A_26 = tpu.memref_squeeze %dma_start3A_25 : memref<1x104xi32, #tpu.memory_space<vmem>> -> memref<104xi32, #tpu.memory_space<vmem>>
    %dma_start3A_27 = arith.constant 0 : i32
    %dma_start3A_28 = arith.constant 0 : i32
    %dma_start3A_29 = tpu.memref_slice %arg3[%dma_start3A_27, %dma_start3A_28] : memref<1000000x64xf32, #tpu.memory_space<hbm>> -> memref<1000000x64xf32, #tpu.memory_space<hbm>>
    tpu.enqueue_indirect_dma source(%dma_start3A_29 : memref<1000000x64xf32, #tpu.memory_space<hbm>>) target(%arg9 : memref<104x64xf32, #tpu.memory_space<vmem>>) offsets(%dma_start3A_26 : memref<104xi32, #tpu.memory_space<vmem>>) semaphore(%arg17 : memref<!tpu.dma_semaphore, #tpu.memory_space<semaphore_mem>>)
    %dma_start3A_30 = arith.constant 4 : i32
    %dma_start3A_31 = arith.constant 0 : i32
    %dma_start3A_32 = tpu.memref_slice %arg5[%dma_start3A_30, %dma_start3A_31] : memref<128x104xi32, #tpu.memory_space<vmem>> -> memref<1x104xi32, #tpu.memory_space<vmem>>
    %dma_start3A_33 = tpu.memref_squeeze %dma_start3A_32 : memref<1x104xi32, #tpu.memory_space<vmem>> -> memref<104xi32, #tpu.memory_space<vmem>>
    %dma_start3A_34 = arith.constant 0 : i32
    %dma_start3A_35 = arith.constant 0 : i32
    %dma_start3A_36 = tpu.memref_slice %arg3[%dma_start3A_34, %dma_start3A_35] : memref<1000000x64xf32, #tpu.memory_space<hbm>> -> memref<1000000x64xf32, #tpu.memory_space<hbm>>
    tpu.enqueue_indirect_dma source(%dma_start3A_36 : memref<1000000x64xf32, #tpu.memory_space<hbm>>) target(%arg10 : memref<104x64xf32, #tpu.memory_space<vmem>>) offsets(%dma_start3A_33 : memref<104xi32, #tpu.memory_space<vmem>>) semaphore(%arg18 : memref<!tpu.dma_semaphore, #tpu.memory_space<semaphore_mem>>)
    %dma_start3A_37 = arith.constant 5 : i32
    %dma_start3A_38 = arith.constant 0 : i32
    %dma_start3A_39 = tpu.memref_slice %arg5[%dma_start3A_37, %dma_start3A_38] : memref<128x104xi32, #tpu.memory_space<vmem>> -> memref<1x104xi32, #tpu.memory_space<vmem>>
    %dma_start3A_40 = tpu.memref_squeeze %dma_start3A_39 : memref<1x104xi32, #tpu.memory_space<vmem>> -> memref<104xi32, #tpu.memory_space<vmem>>
    %dma_start3A_41 = arith.constant 0 : i32
    %dma_start3A_42 = arith.constant 0 : i32
    %dma_start3A_43 = tpu.memref_slice %arg3[%dma_start3A_41, %dma_start3A_42] : memref<1000000x64xf32, #tpu.memory_space<hbm>> -> memref<1000000x64xf32, #tpu.memory_space<hbm>>
    tpu.enqueue_indirect_dma source(%dma_start3A_43 : memref<1000000x64xf32, #tpu.memory_space<hbm>>) target(%arg11 : memref<104x64xf32, #tpu.memory_space<vmem>>) offsets(%dma_start3A_40 : memref<104xi32, #tpu.memory_space<vmem>>) semaphore(%arg19 : memref<!tpu.dma_semaphore, #tpu.memory_space<semaphore_mem>>)
    %dma_start3A_44 = arith.constant 6 : i32
    %dma_start3A_45 = arith.constant 0 : i32
    %dma_start3A_46 = tpu.memref_slice %arg5[%dma_start3A_44, %dma_start3A_45] : memref<128x104xi32, #tpu.memory_space<vmem>> -> memref<1x104xi32, #tpu.memory_space<vmem>>
    %dma_start3A_47 = tpu.memref_squeeze %dma_start3A_46 : memref<1x104xi32, #tpu.memory_space<vmem>> -> memref<104xi32, #tpu.memory_space<vmem>>
    %dma_start3A_48 = arith.constant 0 : i32
    %dma_start3A_49 = arith.constant 0 : i32
    %dma_start3A_50 = tpu.memref_slice %arg3[%dma_start3A_48, %dma_start3A_49] : memref<1000000x64xf32, #tpu.memory_space<hbm>> -> memref<1000000x64xf32, #tpu.memory_space<hbm>>
    tpu.enqueue_indirect_dma source(%dma_start3A_50 : memref<1000000x64xf32, #tpu.memory_space<hbm>>) target(%arg12 : memref<104x64xf32, #tpu.memory_space<vmem>>) offsets(%dma_start3A_47 : memref<104xi32, #tpu.memory_space<vmem>>) semaphore(%arg20 : memref<!tpu.dma_semaphore, #tpu.memory_space<semaphore_mem>>)
    %dma_start3A_51 = arith.constant 7 : i32
    %dma_start3A_52 = arith.constant 0 : i32
    %dma_start3A_53 = tpu.memref_slice %arg5[%dma_start3A_51, %dma_start3A_52] : memref<128x104xi32, #tpu.memory_space<vmem>> -> memref<1x104xi32, #tpu.memory_space<vmem>>
    %dma_start3A_54 = tpu.memref_squeeze %dma_start3A_53 : memref<1x104xi32, #tpu.memory_space<vmem>> -> memref<104xi32, #tpu.memory_space<vmem>>
    %dma_start3A_55 = arith.constant 0 : i32
    %dma_start3A_56 = arith.constant 0 : i32
    %dma_start3A_57 = tpu.memref_slice %arg3[%dma_start3A_55, %dma_start3A_56] : memref<1000000x64xf32, #tpu.memory_space<hbm>> -> memref<1000000x64xf32, #tpu.memory_space<hbm>>
    tpu.enqueue_indirect_dma source(%dma_start3A_57 : memref<1000000x64xf32, #tpu.memory_space<hbm>>) target(%arg13 : memref<104x64xf32, #tpu.memory_space<vmem>>) offsets(%dma_start3A_54 : memref<104xi32, #tpu.memory_space<vmem>>) semaphore(%arg21 : memref<!tpu.dma_semaphore, #tpu.memory_space<semaphore_mem>>)
    %scan3A = arith.constant 0 : i32
    %scan3A_58 = arith.constant 0 : i32
    %scan3A_59 = arith.constant 16 : i32
    %scan3A_60 = arith.addi %scan3A_58, %scan3A_59 : i32
    %scan3A_61 = arith.constant 1 : i32
    scf.for %scan3A_63 = %scan3A_58 to %scan3A_60 step %scan3A_61  : i32 {
      %mul3A_64 = arith.constant 8 : i32
      %mul3A_65 = arith.muli %scan3A_63, %mul3A_64 : i32
      %add3A_66 = arith.constant 0 : i32
      %add3A_67 = arith.addi %mul3A_65, %add3A_66 : i32
      %dma_wait3A = arith.constant 0 : i32
      %dma_wait3A_68 = tpu.memref_slice %arg5[%add3A_67, %dma_wait3A] : memref<128x104xi32, #tpu.memory_space<vmem>> -> memref<1x104xi32, #tpu.memory_space<vmem>>
      %dma_wait3A_69 = tpu.memref_squeeze %dma_wait3A_68 : memref<1x104xi32, #tpu.memory_space<vmem>> -> memref<104xi32, #tpu.memory_space<vmem>>
      %dma_wait3A_70 = arith.constant 0 : i32
      %dma_wait3A_71 = arith.constant 0 : i32
      %dma_wait3A_72 = tpu.memref_slice %arg3[%dma_wait3A_70, %dma_wait3A_71] : memref<1000000x64xf32, #tpu.memory_space<hbm>> -> memref<1000000x64xf32, #tpu.memory_space<hbm>>
      tpu.wait_indirect_dma semaphore(%arg14 : memref<!tpu.dma_semaphore, #tpu.memory_space<semaphore_mem>>) src(%dma_wait3A_72 : memref<1000000x64xf32, #tpu.memory_space<hbm>>) dst(%arg6 : memref<104x64xf32, #tpu.memory_space<vmem>>)
      %add3A_73 = arith.addi %mul3A_2, %add3A_67 : i32
      "tpu.region"() ({
        %run_scoped3A = tpu.sem_alloc : memref<!tpu.dma_semaphore, #tpu.memory_space<semaphore_mem>>
        %dma_start3A_204 = arith.constant 0 : i32
        %dma_start3A_205 = arith.constant 0 : i32
        %dma_start3A_206 = tpu.memref_slice %arg4[%add3A_73, %dma_start3A_204, %dma_start3A_205] : memref<4096x104x64xf32, #tpu.memory_space<hbm>> -> memref<1x104x64xf32, #tpu.memory_space<hbm>>
        %dma_start3A_207 = tpu.memref_squeeze %dma_start3A_206 : memref<1x104x64xf32, #tpu.memory_space<hbm>> -> memref<104x64xf32, #tpu.memory_space<hbm>>
        %dma_start3A_208 = arith.constant 0 : i32
        %dma_start3A_209 = arith.constant 0 : i32
        %dma_start3A_210 = tpu.memref_slice %arg4[%add3A_73, %dma_start3A_208, %dma_start3A_209] : memref<4096x104x64xf32, #tpu.memory_space<hbm>> -> memref<1x104x64xf32, #tpu.memory_space<hbm>>
        %dma_start3A_211 = tpu.memref_squeeze %dma_start3A_210 : memref<1x104x64xf32, #tpu.memory_space<hbm>> -> memref<104x64xf32, #tpu.memory_space<hbm>>
        tpu.enqueue_dma source(%arg6 : memref<104x64xf32, #tpu.memory_space<vmem>>) target(%dma_start3A_211 : memref<104x64xf32, #tpu.memory_space<hbm>>) target_semaphore(%run_scoped3A : memref<!tpu.dma_semaphore, #tpu.memory_space<semaphore_mem>>)
        %dma_wait3A_212 = arith.constant 0 : i32
        %dma_wait3A_213 = arith.constant 0 : i32
        %dma_wait3A_214 = tpu.memref_slice %arg4[%add3A_73, %dma_wait3A_212, %dma_wait3A_213] : memref<4096x104x64xf32, #tpu.memory_space<hbm>> -> memref<1x104x64xf32, #tpu.memory_space<hbm>>
        %dma_wait3A_215 = tpu.memref_squeeze %dma_wait3A_214 : memref<1x104x64xf32, #tpu.memory_space<hbm>> -> memref<104x64xf32, #tpu.memory_space<hbm>>
        %dma_wait3A_216 = arith.constant 0 : i32
        %dma_wait3A_217 = arith.constant 0 : i32
        %dma_wait3A_218 = tpu.memref_slice %arg4[%add3A_73, %dma_wait3A_216, %dma_wait3A_217] : memref<4096x104x64xf32, #tpu.memory_space<hbm>> -> memref<1x104x64xf32, #tpu.memory_space<hbm>>
        %dma_wait3A_219 = tpu.memref_squeeze %dma_wait3A_218 : memref<1x104x64xf32, #tpu.memory_space<hbm>> -> memref<104x64xf32, #tpu.memory_space<hbm>>
        tpu.wait_dma2 semaphore(%run_scoped3A : memref<!tpu.dma_semaphore, #tpu.memory_space<semaphore_mem>>) src(%arg6 : memref<104x64xf32, #tpu.memory_space<vmem>>) dst(%dma_wait3A_219 : memref<104x64xf32, #tpu.memory_space<hbm>>)
        tpu.yield
      }) : () -> ()
      %add3A_74 = arith.constant 8 : i32
      %add3A_75 = arith.addi %add3A_67, %add3A_74 : i32
      %lt3A = arith.constant 128 : i32
      %lt3A_76 = arith.cmpi slt, %add3A_75, %lt3A : i32
      %convert_element_type3A = arith.extui %lt3A_76 : i1 to i32
      %cond3A = arith.constant 0 : i32
      %cond3A_77 = arith.cmpi ne, %convert_element_type3A, %cond3A : i32
      scf.if %cond3A_77 {
        %dma_start3A_204 = arith.constant 0 : i32
        %dma_start3A_205 = tpu.memref_slice %arg5[%add3A_75, %dma_start3A_204] : memref<128x104xi32, #tpu.memory_space<vmem>> -> memref<1x104xi32, #tpu.memory_space<vmem>>
        %dma_start3A_206 = tpu.memref_squeeze %dma_start3A_205 : memref<1x104xi32, #tpu.memory_space<vmem>> -> memref<104xi32, #tpu.memory_space<vmem>>
        %dma_start3A_207 = arith.constant 0 : i32
        %dma_start3A_208 = arith.constant 0 : i32
        %dma_start3A_209 = tpu.memref_slice %arg3[%dma_start3A_207, %dma_start3A_208] : memref<1000000x64xf32, #tpu.memory_space<hbm>> -> memref<1000000x64xf32, #tpu.memory_space<hbm>>
        tpu.enqueue_indirect_dma source(%dma_start3A_209 : memref<1000000x64xf32, #tpu.memory_space<hbm>>) target(%arg6 : memref<104x64xf32, #tpu.memory_space<vmem>>) offsets(%dma_start3A_206 : memref<104xi32, #tpu.memory_space<vmem>>) semaphore(%arg14 : memref<!tpu.dma_semaphore, #tpu.memory_space<semaphore_mem>>)
      } else {
      }
      %mul3A_78 = arith.constant 8 : i32
      %mul3A_79 = arith.muli %scan3A_63, %mul3A_78 : i32
      %add3A_80 = arith.constant 1 : i32
      %add3A_81 = arith.addi %mul3A_79, %add3A_80 : i32
      %dma_wait3A_82 = arith.constant 0 : i32
      %dma_wait3A_83 = tpu.memref_slice %arg5[%add3A_81, %dma_wait3A_82] : memref<128x104xi32, #tpu.memory_space<vmem>> -> memref<1x104xi32, #tpu.memory_space<vmem>>
      %dma_wait3A_84 = tpu.memref_squeeze %dma_wait3A_83 : memref<1x104xi32, #tpu.memory_space<vmem>> -> memref<104xi32, #tpu.memory_space<vmem>>
      %dma_wait3A_85 = arith.constant 0 : i32
      %dma_wait3A_86 = arith.constant 0 : i32
      %dma_wait3A_87 = tpu.memref_slice %arg3[%dma_wait3A_85, %dma_wait3A_86] : memref<1000000x64xf32, #tpu.memory_space<hbm>> -> memref<1000000x64xf32, #tpu.memory_space<hbm>>
      tpu.wait_indirect_dma semaphore(%arg15 : memref<!tpu.dma_semaphore, #tpu.memory_space<semaphore_mem>>) src(%dma_wait3A_87 : memref<1000000x64xf32, #tpu.memory_space<hbm>>) dst(%arg7 : memref<104x64xf32, #tpu.memory_space<vmem>>)
      %add3A_88 = arith.addi %mul3A_2, %add3A_81 : i32
      "tpu.region"() ({
        %run_scoped3A = tpu.sem_alloc : memref<!tpu.dma_semaphore, #tpu.memory_space<semaphore_mem>>
        %dma_start3A_204 = arith.constant 0 : i32
        %dma_start3A_205 = arith.constant 0 : i32
        %dma_start3A_206 = tpu.memref_slice %arg4[%add3A_88, %dma_start3A_204, %dma_start3A_205] : memref<4096x104x64xf32, #tpu.memory_space<hbm>> -> memref<1x104x64xf32, #tpu.memory_space<hbm>>
        %dma_start3A_207 = tpu.memref_squeeze %dma_start3A_206 : memref<1x104x64xf32, #tpu.memory_space<hbm>> -> memref<104x64xf32, #tpu.memory_space<hbm>>
        %dma_start3A_208 = arith.constant 0 : i32
        %dma_start3A_209 = arith.constant 0 : i32
        %dma_start3A_210 = tpu.memref_slice %arg4[%add3A_88, %dma_start3A_208, %dma_start3A_209] : memref<4096x104x64xf32, #tpu.memory_space<hbm>> -> memref<1x104x64xf32, #tpu.memory_space<hbm>>
        %dma_start3A_211 = tpu.memref_squeeze %dma_start3A_210 : memref<1x104x64xf32, #tpu.memory_space<hbm>> -> memref<104x64xf32, #tpu.memory_space<hbm>>
        tpu.enqueue_dma source(%arg7 : memref<104x64xf32, #tpu.memory_space<vmem>>) target(%dma_start3A_211 : memref<104x64xf32, #tpu.memory_space<hbm>>) target_semaphore(%run_scoped3A : memref<!tpu.dma_semaphore, #tpu.memory_space<semaphore_mem>>)
        %dma_wait3A_212 = arith.constant 0 : i32
        %dma_wait3A_213 = arith.constant 0 : i32
        %dma_wait3A_214 = tpu.memref_slice %arg4[%add3A_88, %dma_wait3A_212, %dma_wait3A_213] : memref<4096x104x64xf32, #tpu.memory_space<hbm>> -> memref<1x104x64xf32, #tpu.memory_space<hbm>>
        %dma_wait3A_215 = tpu.memref_squeeze %dma_wait3A_214 : memref<1x104x64xf32, #tpu.memory_space<hbm>> -> memref<104x64xf32, #tpu.memory_space<hbm>>
        %dma_wait3A_216 = arith.constant 0 : i32
        %dma_wait3A_217 = arith.constant 0 : i32
        %dma_wait3A_218 = tpu.memref_slice %arg4[%add3A_88, %dma_wait3A_216, %dma_wait3A_217] : memref<4096x104x64xf32, #tpu.memory_space<hbm>> -> memref<1x104x64xf32, #tpu.memory_space<hbm>>
        %dma_wait3A_219 = tpu.memref_squeeze %dma_wait3A_218 : memref<1x104x64xf32, #tpu.memory_space<hbm>> -> memref<104x64xf32, #tpu.memory_space<hbm>>
        tpu.wait_dma2 semaphore(%run_scoped3A : memref<!tpu.dma_semaphore, #tpu.memory_space<semaphore_mem>>) src(%arg7 : memref<104x64xf32, #tpu.memory_space<vmem>>) dst(%dma_wait3A_219 : memref<104x64xf32, #tpu.memory_space<hbm>>)
        tpu.yield
      }) : () -> ()
      %add3A_89 = arith.constant 8 : i32
      %add3A_90 = arith.addi %add3A_81, %add3A_89 : i32
      %lt3A_91 = arith.constant 128 : i32
      %lt3A_92 = arith.cmpi slt, %add3A_90, %lt3A_91 : i32
      %convert_element_type3A_93 = arith.extui %lt3A_92 : i1 to i32
      %cond3A_94 = arith.constant 0 : i32
      %cond3A_95 = arith.cmpi ne, %convert_element_type3A_93, %cond3A_94 : i32
      scf.if %cond3A_95 {
        %dma_start3A_204 = arith.constant 0 : i32
        %dma_start3A_205 = tpu.memref_slice %arg5[%add3A_90, %dma_start3A_204] : memref<128x104xi32, #tpu.memory_space<vmem>> -> memref<1x104xi32, #tpu.memory_space<vmem>>
        %dma_start3A_206 = tpu.memref_squeeze %dma_start3A_205 : memref<1x104xi32, #tpu.memory_space<vmem>> -> memref<104xi32, #tpu.memory_space<vmem>>
        %dma_start3A_207 = arith.constant 0 : i32
        %dma_start3A_208 = arith.constant 0 : i32
        %dma_start3A_209 = tpu.memref_slice %arg3[%dma_start3A_207, %dma_start3A_208] : memref<1000000x64xf32, #tpu.memory_space<hbm>> -> memref<1000000x64xf32, #tpu.memory_space<hbm>>
        tpu.enqueue_indirect_dma source(%dma_start3A_209 : memref<1000000x64xf32, #tpu.memory_space<hbm>>) target(%arg7 : memref<104x64xf32, #tpu.memory_space<vmem>>) offsets(%dma_start3A_206 : memref<104xi32, #tpu.memory_space<vmem>>) semaphore(%arg15 : memref<!tpu.dma_semaphore, #tpu.memory_space<semaphore_mem>>)
      } else {
      }
      %mul3A_96 = arith.constant 8 : i32
      %mul3A_97 = arith.muli %scan3A_63, %mul3A_96 : i32
      %add3A_98 = arith.constant 2 : i32
      %add3A_99 = arith.addi %mul3A_97, %add3A_98 : i32
      %dma_wait3A_100 = arith.constant 0 : i32
      %dma_wait3A_101 = tpu.memref_slice %arg5[%add3A_99, %dma_wait3A_100] : memref<128x104xi32, #tpu.memory_space<vmem>> -> memref<1x104xi32, #tpu.memory_space<vmem>>
      %dma_wait3A_102 = tpu.memref_squeeze %dma_wait3A_101 : memref<1x104xi32, #tpu.memory_space<vmem>> -> memref<104xi32, #tpu.memory_space<vmem>>
      %dma_wait3A_103 = arith.constant 0 : i32
      %dma_wait3A_104 = arith.constant 0 : i32
      %dma_wait3A_105 = tpu.memref_slice %arg3[%dma_wait3A_103, %dma_wait3A_104] : memref<1000000x64xf32, #tpu.memory_space<hbm>> -> memref<1000000x64xf32, #tpu.memory_space<hbm>>
      tpu.wait_indirect_dma semaphore(%arg16 : memref<!tpu.dma_semaphore, #tpu.memory_space<semaphore_mem>>) src(%dma_wait3A_105 : memref<1000000x64xf32, #tpu.memory_space<hbm>>) dst(%arg8 : memref<104x64xf32, #tpu.memory_space<vmem>>)
      %add3A_106 = arith.addi %mul3A_2, %add3A_99 : i32
      "tpu.region"() ({
        %run_scoped3A = tpu.sem_alloc : memref<!tpu.dma_semaphore, #tpu.memory_space<semaphore_mem>>
        %dma_start3A_204 = arith.constant 0 : i32
        %dma_start3A_205 = arith.constant 0 : i32
        %dma_start3A_206 = tpu.memref_slice %arg4[%add3A_106, %dma_start3A_204, %dma_start3A_205] : memref<4096x104x64xf32, #tpu.memory_space<hbm>> -> memref<1x104x64xf32, #tpu.memory_space<hbm>>
        %dma_start3A_207 = tpu.memref_squeeze %dma_start3A_206 : memref<1x104x64xf32, #tpu.memory_space<hbm>> -> memref<104x64xf32, #tpu.memory_space<hbm>>
        %dma_start3A_208 = arith.constant 0 : i32
        %dma_start3A_209 = arith.constant 0 : i32
        %dma_start3A_210 = tpu.memref_slice %arg4[%add3A_106, %dma_start3A_208, %dma_start3A_209] : memref<4096x104x64xf32, #tpu.memory_space<hbm>> -> memref<1x104x64xf32, #tpu.memory_space<hbm>>
        %dma_start3A_211 = tpu.memref_squeeze %dma_start3A_210 : memref<1x104x64xf32, #tpu.memory_space<hbm>> -> memref<104x64xf32, #tpu.memory_space<hbm>>
        tpu.enqueue_dma source(%arg8 : memref<104x64xf32, #tpu.memory_space<vmem>>) target(%dma_start3A_211 : memref<104x64xf32, #tpu.memory_space<hbm>>) target_semaphore(%run_scoped3A : memref<!tpu.dma_semaphore, #tpu.memory_space<semaphore_mem>>)
        %dma_wait3A_212 = arith.constant 0 : i32
        %dma_wait3A_213 = arith.constant 0 : i32
        %dma_wait3A_214 = tpu.memref_slice %arg4[%add3A_106, %dma_wait3A_212, %dma_wait3A_213] : memref<4096x104x64xf32, #tpu.memory_space<hbm>> -> memref<1x104x64xf32, #tpu.memory_space<hbm>>
        %dma_wait3A_215 = tpu.memref_squeeze %dma_wait3A_214 : memref<1x104x64xf32, #tpu.memory_space<hbm>> -> memref<104x64xf32, #tpu.memory_space<hbm>>
        %dma_wait3A_216 = arith.constant 0 : i32
        %dma_wait3A_217 = arith.constant 0 : i32
        %dma_wait3A_218 = tpu.memref_slice %arg4[%add3A_106, %dma_wait3A_216, %dma_wait3A_217] : memref<4096x104x64xf32, #tpu.memory_space<hbm>> -> memref<1x104x64xf32, #tpu.memory_space<hbm>>
        %dma_wait3A_219 = tpu.memref_squeeze %dma_wait3A_218 : memref<1x104x64xf32, #tpu.memory_space<hbm>> -> memref<104x64xf32, #tpu.memory_space<hbm>>
        tpu.wait_dma2 semaphore(%run_scoped3A : memref<!tpu.dma_semaphore, #tpu.memory_space<semaphore_mem>>) src(%arg8 : memref<104x64xf32, #tpu.memory_space<vmem>>) dst(%dma_wait3A_219 : memref<104x64xf32, #tpu.memory_space<hbm>>)
        tpu.yield
      }) : () -> ()
      %add3A_107 = arith.constant 8 : i32
      %add3A_108 = arith.addi %add3A_99, %add3A_107 : i32
      %lt3A_109 = arith.constant 128 : i32
      %lt3A_110 = arith.cmpi slt, %add3A_108, %lt3A_109 : i32
      %convert_element_type3A_111 = arith.extui %lt3A_110 : i1 to i32
      %cond3A_112 = arith.constant 0 : i32
      %cond3A_113 = arith.cmpi ne, %convert_element_type3A_111, %cond3A_112 : i32
      scf.if %cond3A_113 {
        %dma_start3A_204 = arith.constant 0 : i32
        %dma_start3A_205 = tpu.memref_slice %arg5[%add3A_108, %dma_start3A_204] : memref<128x104xi32, #tpu.memory_space<vmem>> -> memref<1x104xi32, #tpu.memory_space<vmem>>
        %dma_start3A_206 = tpu.memref_squeeze %dma_start3A_205 : memref<1x104xi32, #tpu.memory_space<vmem>> -> memref<104xi32, #tpu.memory_space<vmem>>
        %dma_start3A_207 = arith.constant 0 : i32
        %dma_start3A_208 = arith.constant 0 : i32
        %dma_start3A_209 = tpu.memref_slice %arg3[%dma_start3A_207, %dma_start3A_208] : memref<1000000x64xf32, #tpu.memory_space<hbm>> -> memref<1000000x64xf32, #tpu.memory_space<hbm>>
        tpu.enqueue_indirect_dma source(%dma_start3A_209 : memref<1000000x64xf32, #tpu.memory_space<hbm>>) target(%arg8 : memref<104x64xf32, #tpu.memory_space<vmem>>) offsets(%dma_start3A_206 : memref<104xi32, #tpu.memory_space<vmem>>) semaphore(%arg16 : memref<!tpu.dma_semaphore, #tpu.memory_space<semaphore_mem>>)
      } else {
      }
      %mul3A_114 = arith.constant 8 : i32
      %mul3A_115 = arith.muli %scan3A_63, %mul3A_114 : i32
      %add3A_116 = arith.constant 3 : i32
      %add3A_117 = arith.addi %mul3A_115, %add3A_116 : i32
      %dma_wait3A_118 = arith.constant 0 : i32
      %dma_wait3A_119 = tpu.memref_slice %arg5[%add3A_117, %dma_wait3A_118] : memref<128x104xi32, #tpu.memory_space<vmem>> -> memref<1x104xi32, #tpu.memory_space<vmem>>
      %dma_wait3A_120 = tpu.memref_squeeze %dma_wait3A_119 : memref<1x104xi32, #tpu.memory_space<vmem>> -> memref<104xi32, #tpu.memory_space<vmem>>
      %dma_wait3A_121 = arith.constant 0 : i32
      %dma_wait3A_122 = arith.constant 0 : i32
      %dma_wait3A_123 = tpu.memref_slice %arg3[%dma_wait3A_121, %dma_wait3A_122] : memref<1000000x64xf32, #tpu.memory_space<hbm>> -> memref<1000000x64xf32, #tpu.memory_space<hbm>>
      tpu.wait_indirect_dma semaphore(%arg17 : memref<!tpu.dma_semaphore, #tpu.memory_space<semaphore_mem>>) src(%dma_wait3A_123 : memref<1000000x64xf32, #tpu.memory_space<hbm>>) dst(%arg9 : memref<104x64xf32, #tpu.memory_space<vmem>>)
      %add3A_124 = arith.addi %mul3A_2, %add3A_117 : i32
      "tpu.region"() ({
        %run_scoped3A = tpu.sem_alloc : memref<!tpu.dma_semaphore, #tpu.memory_space<semaphore_mem>>
        %dma_start3A_204 = arith.constant 0 : i32
        %dma_start3A_205 = arith.constant 0 : i32
        %dma_start3A_206 = tpu.memref_slice %arg4[%add3A_124, %dma_start3A_204, %dma_start3A_205] : memref<4096x104x64xf32, #tpu.memory_space<hbm>> -> memref<1x104x64xf32, #tpu.memory_space<hbm>>
        %dma_start3A_207 = tpu.memref_squeeze %dma_start3A_206 : memref<1x104x64xf32, #tpu.memory_space<hbm>> -> memref<104x64xf32, #tpu.memory_space<hbm>>
        %dma_start3A_208 = arith.constant 0 : i32
        %dma_start3A_209 = arith.constant 0 : i32
        %dma_start3A_210 = tpu.memref_slice %arg4[%add3A_124, %dma_start3A_208, %dma_start3A_209] : memref<4096x104x64xf32, #tpu.memory_space<hbm>> -> memref<1x104x64xf32, #tpu.memory_space<hbm>>
        %dma_start3A_211 = tpu.memref_squeeze %dma_start3A_210 : memref<1x104x64xf32, #tpu.memory_space<hbm>> -> memref<104x64xf32, #tpu.memory_space<hbm>>
        tpu.enqueue_dma source(%arg9 : memref<104x64xf32, #tpu.memory_space<vmem>>) target(%dma_start3A_211 : memref<104x64xf32, #tpu.memory_space<hbm>>) target_semaphore(%run_scoped3A : memref<!tpu.dma_semaphore, #tpu.memory_space<semaphore_mem>>)
        %dma_wait3A_212 = arith.constant 0 : i32
        %dma_wait3A_213 = arith.constant 0 : i32
        %dma_wait3A_214 = tpu.memref_slice %arg4[%add3A_124, %dma_wait3A_212, %dma_wait3A_213] : memref<4096x104x64xf32, #tpu.memory_space<hbm>> -> memref<1x104x64xf32, #tpu.memory_space<hbm>>
        %dma_wait3A_215 = tpu.memref_squeeze %dma_wait3A_214 : memref<1x104x64xf32, #tpu.memory_space<hbm>> -> memref<104x64xf32, #tpu.memory_space<hbm>>
        %dma_wait3A_216 = arith.constant 0 : i32
        %dma_wait3A_217 = arith.constant 0 : i32
        %dma_wait3A_218 = tpu.memref_slice %arg4[%add3A_124, %dma_wait3A_216, %dma_wait3A_217] : memref<4096x104x64xf32, #tpu.memory_space<hbm>> -> memref<1x104x64xf32, #tpu.memory_space<hbm>>
        %dma_wait3A_219 = tpu.memref_squeeze %dma_wait3A_218 : memref<1x104x64xf32, #tpu.memory_space<hbm>> -> memref<104x64xf32, #tpu.memory_space<hbm>>
        tpu.wait_dma2 semaphore(%run_scoped3A : memref<!tpu.dma_semaphore, #tpu.memory_space<semaphore_mem>>) src(%arg9 : memref<104x64xf32, #tpu.memory_space<vmem>>) dst(%dma_wait3A_219 : memref<104x64xf32, #tpu.memory_space<hbm>>)
        tpu.yield
      }) : () -> ()
      %add3A_125 = arith.constant 8 : i32
      %add3A_126 = arith.addi %add3A_117, %add3A_125 : i32
      %lt3A_127 = arith.constant 128 : i32
      %lt3A_128 = arith.cmpi slt, %add3A_126, %lt3A_127 : i32
      %convert_element_type3A_129 = arith.extui %lt3A_128 : i1 to i32
      %cond3A_130 = arith.constant 0 : i32
      %cond3A_131 = arith.cmpi ne, %convert_element_type3A_129, %cond3A_130 : i32
      scf.if %cond3A_131 {
        %dma_start3A_204 = arith.constant 0 : i32
        %dma_start3A_205 = tpu.memref_slice %arg5[%add3A_126, %dma_start3A_204] : memref<128x104xi32, #tpu.memory_space<vmem>> -> memref<1x104xi32, #tpu.memory_space<vmem>>
        %dma_start3A_206 = tpu.memref_squeeze %dma_start3A_205 : memref<1x104xi32, #tpu.memory_space<vmem>> -> memref<104xi32, #tpu.memory_space<vmem>>
        %dma_start3A_207 = arith.constant 0 : i32
        %dma_start3A_208 = arith.constant 0 : i32
        %dma_start3A_209 = tpu.memref_slice %arg3[%dma_start3A_207, %dma_start3A_208] : memref<1000000x64xf32, #tpu.memory_space<hbm>> -> memref<1000000x64xf32, #tpu.memory_space<hbm>>
        tpu.enqueue_indirect_dma source(%dma_start3A_209 : memref<1000000x64xf32, #tpu.memory_space<hbm>>) target(%arg9 : memref<104x64xf32, #tpu.memory_space<vmem>>) offsets(%dma_start3A_206 : memref<104xi32, #tpu.memory_space<vmem>>) semaphore(%arg17 : memref<!tpu.dma_semaphore, #tpu.memory_space<semaphore_mem>>)
      } else {
      }
      %mul3A_132 = arith.constant 8 : i32
      %mul3A_133 = arith.muli %scan3A_63, %mul3A_132 : i32
      %add3A_134 = arith.constant 4 : i32
      %add3A_135 = arith.addi %mul3A_133, %add3A_134 : i32
      %dma_wait3A_136 = arith.constant 0 : i32
      %dma_wait3A_137 = tpu.memref_slice %arg5[%add3A_135, %dma_wait3A_136] : memref<128x104xi32, #tpu.memory_space<vmem>> -> memref<1x104xi32, #tpu.memory_space<vmem>>
      %dma_wait3A_138 = tpu.memref_squeeze %dma_wait3A_137 : memref<1x104xi32, #tpu.memory_space<vmem>> -> memref<104xi32, #tpu.memory_space<vmem>>
      %dma_wait3A_139 = arith.constant 0 : i32
      %dma_wait3A_140 = arith.constant 0 : i32
      %dma_wait3A_141 = tpu.memref_slice %arg3[%dma_wait3A_139, %dma_wait3A_140] : memref<1000000x64xf32, #tpu.memory_space<hbm>> -> memref<1000000x64xf32, #tpu.memory_space<hbm>>
      tpu.wait_indirect_dma semaphore(%arg18 : memref<!tpu.dma_semaphore, #tpu.memory_space<semaphore_mem>>) src(%dma_wait3A_141 : memref<1000000x64xf32, #tpu.memory_space<hbm>>) dst(%arg10 : memref<104x64xf32, #tpu.memory_space<vmem>>)
      %add3A_142 = arith.addi %mul3A_2, %add3A_135 : i32
      "tpu.region"() ({
        %run_scoped3A = tpu.sem_alloc : memref<!tpu.dma_semaphore, #tpu.memory_space<semaphore_mem>>
        %dma_start3A_204 = arith.constant 0 : i32
        %dma_start3A_205 = arith.constant 0 : i32
        %dma_start3A_206 = tpu.memref_slice %arg4[%add3A_142, %dma_start3A_204, %dma_start3A_205] : memref<4096x104x64xf32, #tpu.memory_space<hbm>> -> memref<1x104x64xf32, #tpu.memory_space<hbm>>
        %dma_start3A_207 = tpu.memref_squeeze %dma_start3A_206 : memref<1x104x64xf32, #tpu.memory_space<hbm>> -> memref<104x64xf32, #tpu.memory_space<hbm>>
        %dma_start3A_208 = arith.constant 0 : i32
        %dma_start3A_209 = arith.constant 0 : i32
        %dma_start3A_210 = tpu.memref_slice %arg4[%add3A_142, %dma_start3A_208, %dma_start3A_209] : memref<4096x104x64xf32, #tpu.memory_space<hbm>> -> memref<1x104x64xf32, #tpu.memory_space<hbm>>
        %dma_start3A_211 = tpu.memref_squeeze %dma_start3A_210 : memref<1x104x64xf32, #tpu.memory_space<hbm>> -> memref<104x64xf32, #tpu.memory_space<hbm>>
        tpu.enqueue_dma source(%arg10 : memref<104x64xf32, #tpu.memory_space<vmem>>) target(%dma_start3A_211 : memref<104x64xf32, #tpu.memory_space<hbm>>) target_semaphore(%run_scoped3A : memref<!tpu.dma_semaphore, #tpu.memory_space<semaphore_mem>>)
        %dma_wait3A_212 = arith.constant 0 : i32
        %dma_wait3A_213 = arith.constant 0 : i32
        %dma_wait3A_214 = tpu.memref_slice %arg4[%add3A_142, %dma_wait3A_212, %dma_wait3A_213] : memref<4096x104x64xf32, #tpu.memory_space<hbm>> -> memref<1x104x64xf32, #tpu.memory_space<hbm>>
        %dma_wait3A_215 = tpu.memref_squeeze %dma_wait3A_214 : memref<1x104x64xf32, #tpu.memory_space<hbm>> -> memref<104x64xf32, #tpu.memory_space<hbm>>
        %dma_wait3A_216 = arith.constant 0 : i32
        %dma_wait3A_217 = arith.constant 0 : i32
        %dma_wait3A_218 = tpu.memref_slice %arg4[%add3A_142, %dma_wait3A_216, %dma_wait3A_217] : memref<4096x104x64xf32, #tpu.memory_space<hbm>> -> memref<1x104x64xf32, #tpu.memory_space<hbm>>
        %dma_wait3A_219 = tpu.memref_squeeze %dma_wait3A_218 : memref<1x104x64xf32, #tpu.memory_space<hbm>> -> memref<104x64xf32, #tpu.memory_space<hbm>>
        tpu.wait_dma2 semaphore(%run_scoped3A : memref<!tpu.dma_semaphore, #tpu.memory_space<semaphore_mem>>) src(%arg10 : memref<104x64xf32, #tpu.memory_space<vmem>>) dst(%dma_wait3A_219 : memref<104x64xf32, #tpu.memory_space<hbm>>)
        tpu.yield
      }) : () -> ()
      %add3A_143 = arith.constant 8 : i32
      %add3A_144 = arith.addi %add3A_135, %add3A_143 : i32
      %lt3A_145 = arith.constant 128 : i32
      %lt3A_146 = arith.cmpi slt, %add3A_144, %lt3A_145 : i32
      %convert_element_type3A_147 = arith.extui %lt3A_146 : i1 to i32
      %cond3A_148 = arith.constant 0 : i32
      %cond3A_149 = arith.cmpi ne, %convert_element_type3A_147, %cond3A_148 : i32
      scf.if %cond3A_149 {
        %dma_start3A_204 = arith.constant 0 : i32
        %dma_start3A_205 = tpu.memref_slice %arg5[%add3A_144, %dma_start3A_204] : memref<128x104xi32, #tpu.memory_space<vmem>> -> memref<1x104xi32, #tpu.memory_space<vmem>>
        %dma_start3A_206 = tpu.memref_squeeze %dma_start3A_205 : memref<1x104xi32, #tpu.memory_space<vmem>> -> memref<104xi32, #tpu.memory_space<vmem>>
        %dma_start3A_207 = arith.constant 0 : i32
        %dma_start3A_208 = arith.constant 0 : i32
        %dma_start3A_209 = tpu.memref_slice %arg3[%dma_start3A_207, %dma_start3A_208] : memref<1000000x64xf32, #tpu.memory_space<hbm>> -> memref<1000000x64xf32, #tpu.memory_space<hbm>>
        tpu.enqueue_indirect_dma source(%dma_start3A_209 : memref<1000000x64xf32, #tpu.memory_space<hbm>>) target(%arg10 : memref<104x64xf32, #tpu.memory_space<vmem>>) offsets(%dma_start3A_206 : memref<104xi32, #tpu.memory_space<vmem>>) semaphore(%arg18 : memref<!tpu.dma_semaphore, #tpu.memory_space<semaphore_mem>>)
      } else {
      }
      %mul3A_150 = arith.constant 8 : i32
      %mul3A_151 = arith.muli %scan3A_63, %mul3A_150 : i32
      %add3A_152 = arith.constant 5 : i32
      %add3A_153 = arith.addi %mul3A_151, %add3A_152 : i32
      %dma_wait3A_154 = arith.constant 0 : i32
      %dma_wait3A_155 = tpu.memref_slice %arg5[%add3A_153, %dma_wait3A_154] : memref<128x104xi32, #tpu.memory_space<vmem>> -> memref<1x104xi32, #tpu.memory_space<vmem>>
      %dma_wait3A_156 = tpu.memref_squeeze %dma_wait3A_155 : memref<1x104xi32, #tpu.memory_space<vmem>> -> memref<104xi32, #tpu.memory_space<vmem>>
      %dma_wait3A_157 = arith.constant 0 : i32
      %dma_wait3A_158 = arith.constant 0 : i32
      %dma_wait3A_159 = tpu.memref_slice %arg3[%dma_wait3A_157, %dma_wait3A_158] : memref<1000000x64xf32, #tpu.memory_space<hbm>> -> memref<1000000x64xf32, #tpu.memory_space<hbm>>
      tpu.wait_indirect_dma semaphore(%arg19 : memref<!tpu.dma_semaphore, #tpu.memory_space<semaphore_mem>>) src(%dma_wait3A_159 : memref<1000000x64xf32, #tpu.memory_space<hbm>>) dst(%arg11 : memref<104x64xf32, #tpu.memory_space<vmem>>)
      %add3A_160 = arith.addi %mul3A_2, %add3A_153 : i32
      "tpu.region"() ({
        %run_scoped3A = tpu.sem_alloc : memref<!tpu.dma_semaphore, #tpu.memory_space<semaphore_mem>>
        %dma_start3A_204 = arith.constant 0 : i32
        %dma_start3A_205 = arith.constant 0 : i32
        %dma_start3A_206 = tpu.memref_slice %arg4[%add3A_160, %dma_start3A_204, %dma_start3A_205] : memref<4096x104x64xf32, #tpu.memory_space<hbm>> -> memref<1x104x64xf32, #tpu.memory_space<hbm>>
        %dma_start3A_207 = tpu.memref_squeeze %dma_start3A_206 : memref<1x104x64xf32, #tpu.memory_space<hbm>> -> memref<104x64xf32, #tpu.memory_space<hbm>>
        %dma_start3A_208 = arith.constant 0 : i32
        %dma_start3A_209 = arith.constant 0 : i32
        %dma_start3A_210 = tpu.memref_slice %arg4[%add3A_160, %dma_start3A_208, %dma_start3A_209] : memref<4096x104x64xf32, #tpu.memory_space<hbm>> -> memref<1x104x64xf32, #tpu.memory_space<hbm>>
        %dma_start3A_211 = tpu.memref_squeeze %dma_start3A_210 : memref<1x104x64xf32, #tpu.memory_space<hbm>> -> memref<104x64xf32, #tpu.memory_space<hbm>>
        tpu.enqueue_dma source(%arg11 : memref<104x64xf32, #tpu.memory_space<vmem>>) target(%dma_start3A_211 : memref<104x64xf32, #tpu.memory_space<hbm>>) target_semaphore(%run_scoped3A : memref<!tpu.dma_semaphore, #tpu.memory_space<semaphore_mem>>)
        %dma_wait3A_212 = arith.constant 0 : i32
        %dma_wait3A_213 = arith.constant 0 : i32
        %dma_wait3A_214 = tpu.memref_slice %arg4[%add3A_160, %dma_wait3A_212, %dma_wait3A_213] : memref<4096x104x64xf32, #tpu.memory_space<hbm>> -> memref<1x104x64xf32, #tpu.memory_space<hbm>>
        %dma_wait3A_215 = tpu.memref_squeeze %dma_wait3A_214 : memref<1x104x64xf32, #tpu.memory_space<hbm>> -> memref<104x64xf32, #tpu.memory_space<hbm>>
        %dma_wait3A_216 = arith.constant 0 : i32
        %dma_wait3A_217 = arith.constant 0 : i32
        %dma_wait3A_218 = tpu.memref_slice %arg4[%add3A_160, %dma_wait3A_216, %dma_wait3A_217] : memref<4096x104x64xf32, #tpu.memory_space<hbm>> -> memref<1x104x64xf32, #tpu.memory_space<hbm>>
        %dma_wait3A_219 = tpu.memref_squeeze %dma_wait3A_218 : memref<1x104x64xf32, #tpu.memory_space<hbm>> -> memref<104x64xf32, #tpu.memory_space<hbm>>
        tpu.wait_dma2 semaphore(%run_scoped3A : memref<!tpu.dma_semaphore, #tpu.memory_space<semaphore_mem>>) src(%arg11 : memref<104x64xf32, #tpu.memory_space<vmem>>) dst(%dma_wait3A_219 : memref<104x64xf32, #tpu.memory_space<hbm>>)
        tpu.yield
      }) : () -> ()
      %add3A_161 = arith.constant 8 : i32
      %add3A_162 = arith.addi %add3A_153, %add3A_161 : i32
      %lt3A_163 = arith.constant 128 : i32
      %lt3A_164 = arith.cmpi slt, %add3A_162, %lt3A_163 : i32
      %convert_element_type3A_165 = arith.extui %lt3A_164 : i1 to i32
      %cond3A_166 = arith.constant 0 : i32
      %cond3A_167 = arith.cmpi ne, %convert_element_type3A_165, %cond3A_166 : i32
      scf.if %cond3A_167 {
        %dma_start3A_204 = arith.constant 0 : i32
        %dma_start3A_205 = tpu.memref_slice %arg5[%add3A_162, %dma_start3A_204] : memref<128x104xi32, #tpu.memory_space<vmem>> -> memref<1x104xi32, #tpu.memory_space<vmem>>
        %dma_start3A_206 = tpu.memref_squeeze %dma_start3A_205 : memref<1x104xi32, #tpu.memory_space<vmem>> -> memref<104xi32, #tpu.memory_space<vmem>>
        %dma_start3A_207 = arith.constant 0 : i32
        %dma_start3A_208 = arith.constant 0 : i32
        %dma_start3A_209 = tpu.memref_slice %arg3[%dma_start3A_207, %dma_start3A_208] : memref<1000000x64xf32, #tpu.memory_space<hbm>> -> memref<1000000x64xf32, #tpu.memory_space<hbm>>
        tpu.enqueue_indirect_dma source(%dma_start3A_209 : memref<1000000x64xf32, #tpu.memory_space<hbm>>) target(%arg11 : memref<104x64xf32, #tpu.memory_space<vmem>>) offsets(%dma_start3A_206 : memref<104xi32, #tpu.memory_space<vmem>>) semaphore(%arg19 : memref<!tpu.dma_semaphore, #tpu.memory_space<semaphore_mem>>)
      } else {
      }
      %mul3A_168 = arith.constant 8 : i32
      %mul3A_169 = arith.muli %scan3A_63, %mul3A_168 : i32
      %add3A_170 = arith.constant 6 : i32
      %add3A_171 = arith.addi %mul3A_169, %add3A_170 : i32
      %dma_wait3A_172 = arith.constant 0 : i32
      %dma_wait3A_173 = tpu.memref_slice %arg5[%add3A_171, %dma_wait3A_172] : memref<128x104xi32, #tpu.memory_space<vmem>> -> memref<1x104xi32, #tpu.memory_space<vmem>>
      %dma_wait3A_174 = tpu.memref_squeeze %dma_wait3A_173 : memref<1x104xi32, #tpu.memory_space<vmem>> -> memref<104xi32, #tpu.memory_space<vmem>>
      %dma_wait3A_175 = arith.constant 0 : i32
      %dma_wait3A_176 = arith.constant 0 : i32
      %dma_wait3A_177 = tpu.memref_slice %arg3[%dma_wait3A_175, %dma_wait3A_176] : memref<1000000x64xf32, #tpu.memory_space<hbm>> -> memref<1000000x64xf32, #tpu.memory_space<hbm>>
      tpu.wait_indirect_dma semaphore(%arg20 : memref<!tpu.dma_semaphore, #tpu.memory_space<semaphore_mem>>) src(%dma_wait3A_177 : memref<1000000x64xf32, #tpu.memory_space<hbm>>) dst(%arg12 : memref<104x64xf32, #tpu.memory_space<vmem>>)
      %add3A_178 = arith.addi %mul3A_2, %add3A_171 : i32
      "tpu.region"() ({
        %run_scoped3A = tpu.sem_alloc : memref<!tpu.dma_semaphore, #tpu.memory_space<semaphore_mem>>
        %dma_start3A_204 = arith.constant 0 : i32
        %dma_start3A_205 = arith.constant 0 : i32
        %dma_start3A_206 = tpu.memref_slice %arg4[%add3A_178, %dma_start3A_204, %dma_start3A_205] : memref<4096x104x64xf32, #tpu.memory_space<hbm>> -> memref<1x104x64xf32, #tpu.memory_space<hbm>>
        %dma_start3A_207 = tpu.memref_squeeze %dma_start3A_206 : memref<1x104x64xf32, #tpu.memory_space<hbm>> -> memref<104x64xf32, #tpu.memory_space<hbm>>
        %dma_start3A_208 = arith.constant 0 : i32
        %dma_start3A_209 = arith.constant 0 : i32
        %dma_start3A_210 = tpu.memref_slice %arg4[%add3A_178, %dma_start3A_208, %dma_start3A_209] : memref<4096x104x64xf32, #tpu.memory_space<hbm>> -> memref<1x104x64xf32, #tpu.memory_space<hbm>>
        %dma_start3A_211 = tpu.memref_squeeze %dma_start3A_210 : memref<1x104x64xf32, #tpu.memory_space<hbm>> -> memref<104x64xf32, #tpu.memory_space<hbm>>
        tpu.enqueue_dma source(%arg12 : memref<104x64xf32, #tpu.memory_space<vmem>>) target(%dma_start3A_211 : memref<104x64xf32, #tpu.memory_space<hbm>>) target_semaphore(%run_scoped3A : memref<!tpu.dma_semaphore, #tpu.memory_space<semaphore_mem>>)
        %dma_wait3A_212 = arith.constant 0 : i32
        %dma_wait3A_213 = arith.constant 0 : i32
        %dma_wait3A_214 = tpu.memref_slice %arg4[%add3A_178, %dma_wait3A_212, %dma_wait3A_213] : memref<4096x104x64xf32, #tpu.memory_space<hbm>> -> memref<1x104x64xf32, #tpu.memory_space<hbm>>
        %dma_wait3A_215 = tpu.memref_squeeze %dma_wait3A_214 : memref<1x104x64xf32, #tpu.memory_space<hbm>> -> memref<104x64xf32, #tpu.memory_space<hbm>>
        %dma_wait3A_216 = arith.constant 0 : i32
        %dma_wait3A_217 = arith.constant 0 : i32
        %dma_wait3A_218 = tpu.memref_slice %arg4[%add3A_178, %dma_wait3A_216, %dma_wait3A_217] : memref<4096x104x64xf32, #tpu.memory_space<hbm>> -> memref<1x104x64xf32, #tpu.memory_space<hbm>>
        %dma_wait3A_219 = tpu.memref_squeeze %dma_wait3A_218 : memref<1x104x64xf32, #tpu.memory_space<hbm>> -> memref<104x64xf32, #tpu.memory_space<hbm>>
        tpu.wait_dma2 semaphore(%run_scoped3A : memref<!tpu.dma_semaphore, #tpu.memory_space<semaphore_mem>>) src(%arg12 : memref<104x64xf32, #tpu.memory_space<vmem>>) dst(%dma_wait3A_219 : memref<104x64xf32, #tpu.memory_space<hbm>>)
        tpu.yield
      }) : () -> ()
      %add3A_179 = arith.constant 8 : i32
      %add3A_180 = arith.addi %add3A_171, %add3A_179 : i32
      %lt3A_181 = arith.constant 128 : i32
      %lt3A_182 = arith.cmpi slt, %add3A_180, %lt3A_181 : i32
      %convert_element_type3A_183 = arith.extui %lt3A_182 : i1 to i32
      %cond3A_184 = arith.constant 0 : i32
      %cond3A_185 = arith.cmpi ne, %convert_element_type3A_183, %cond3A_184 : i32
      scf.if %cond3A_185 {
        %dma_start3A_204 = arith.constant 0 : i32
        %dma_start3A_205 = tpu.memref_slice %arg5[%add3A_180, %dma_start3A_204] : memref<128x104xi32, #tpu.memory_space<vmem>> -> memref<1x104xi32, #tpu.memory_space<vmem>>
        %dma_start3A_206 = tpu.memref_squeeze %dma_start3A_205 : memref<1x104xi32, #tpu.memory_space<vmem>> -> memref<104xi32, #tpu.memory_space<vmem>>
        %dma_start3A_207 = arith.constant 0 : i32
        %dma_start3A_208 = arith.constant 0 : i32
        %dma_start3A_209 = tpu.memref_slice %arg3[%dma_start3A_207, %dma_start3A_208] : memref<1000000x64xf32, #tpu.memory_space<hbm>> -> memref<1000000x64xf32, #tpu.memory_space<hbm>>
        tpu.enqueue_indirect_dma source(%dma_start3A_209 : memref<1000000x64xf32, #tpu.memory_space<hbm>>) target(%arg12 : memref<104x64xf32, #tpu.memory_space<vmem>>) offsets(%dma_start3A_206 : memref<104xi32, #tpu.memory_space<vmem>>) semaphore(%arg20 : memref<!tpu.dma_semaphore, #tpu.memory_space<semaphore_mem>>)
      } else {
      }
      %mul3A_186 = arith.constant 8 : i32
      %mul3A_187 = arith.muli %scan3A_63, %mul3A_186 : i32
      %add3A_188 = arith.constant 7 : i32
      %add3A_189 = arith.addi %mul3A_187, %add3A_188 : i32
      %dma_wait3A_190 = arith.constant 0 : i32
      %dma_wait3A_191 = tpu.memref_slice %arg5[%add3A_189, %dma_wait3A_190] : memref<128x104xi32, #tpu.memory_space<vmem>> -> memref<1x104xi32, #tpu.memory_space<vmem>>
      %dma_wait3A_192 = tpu.memref_squeeze %dma_wait3A_191 : memref<1x104xi32, #tpu.memory_space<vmem>> -> memref<104xi32, #tpu.memory_space<vmem>>
      %dma_wait3A_193 = arith.constant 0 : i32
      %dma_wait3A_194 = arith.constant 0 : i32
      %dma_wait3A_195 = tpu.memref_slice %arg3[%dma_wait3A_193, %dma_wait3A_194] : memref<1000000x64xf32, #tpu.memory_space<hbm>> -> memref<1000000x64xf32, #tpu.memory_space<hbm>>
      tpu.wait_indirect_dma semaphore(%arg21 : memref<!tpu.dma_semaphore, #tpu.memory_space<semaphore_mem>>) src(%dma_wait3A_195 : memref<1000000x64xf32, #tpu.memory_space<hbm>>) dst(%arg13 : memref<104x64xf32, #tpu.memory_space<vmem>>)
      %add3A_196 = arith.addi %mul3A_2, %add3A_189 : i32
      "tpu.region"() ({
        %run_scoped3A = tpu.sem_alloc : memref<!tpu.dma_semaphore, #tpu.memory_space<semaphore_mem>>
        %dma_start3A_204 = arith.constant 0 : i32
        %dma_start3A_205 = arith.constant 0 : i32
        %dma_start3A_206 = tpu.memref_slice %arg4[%add3A_196, %dma_start3A_204, %dma_start3A_205] : memref<4096x104x64xf32, #tpu.memory_space<hbm>> -> memref<1x104x64xf32, #tpu.memory_space<hbm>>
        %dma_start3A_207 = tpu.memref_squeeze %dma_start3A_206 : memref<1x104x64xf32, #tpu.memory_space<hbm>> -> memref<104x64xf32, #tpu.memory_space<hbm>>
        %dma_start3A_208 = arith.constant 0 : i32
        %dma_start3A_209 = arith.constant 0 : i32
        %dma_start3A_210 = tpu.memref_slice %arg4[%add3A_196, %dma_start3A_208, %dma_start3A_209] : memref<4096x104x64xf32, #tpu.memory_space<hbm>> -> memref<1x104x64xf32, #tpu.memory_space<hbm>>
        %dma_start3A_211 = tpu.memref_squeeze %dma_start3A_210 : memref<1x104x64xf32, #tpu.memory_space<hbm>> -> memref<104x64xf32, #tpu.memory_space<hbm>>
        tpu.enqueue_dma source(%arg13 : memref<104x64xf32, #tpu.memory_space<vmem>>) target(%dma_start3A_211 : memref<104x64xf32, #tpu.memory_space<hbm>>) target_semaphore(%run_scoped3A : memref<!tpu.dma_semaphore, #tpu.memory_space<semaphore_mem>>)
        %dma_wait3A_212 = arith.constant 0 : i32
        %dma_wait3A_213 = arith.constant 0 : i32
        %dma_wait3A_214 = tpu.memref_slice %arg4[%add3A_196, %dma_wait3A_212, %dma_wait3A_213] : memref<4096x104x64xf32, #tpu.memory_space<hbm>> -> memref<1x104x64xf32, #tpu.memory_space<hbm>>
        %dma_wait3A_215 = tpu.memref_squeeze %dma_wait3A_214 : memref<1x104x64xf32, #tpu.memory_space<hbm>> -> memref<104x64xf32, #tpu.memory_space<hbm>>
        %dma_wait3A_216 = arith.constant 0 : i32
        %dma_wait3A_217 = arith.constant 0 : i32
        %dma_wait3A_218 = tpu.memref_slice %arg4[%add3A_196, %dma_wait3A_216, %dma_wait3A_217] : memref<4096x104x64xf32, #tpu.memory_space<hbm>> -> memref<1x104x64xf32, #tpu.memory_space<hbm>>
        %dma_wait3A_219 = tpu.memref_squeeze %dma_wait3A_218 : memref<1x104x64xf32, #tpu.memory_space<hbm>> -> memref<104x64xf32, #tpu.memory_space<hbm>>
        tpu.wait_dma2 semaphore(%run_scoped3A : memref<!tpu.dma_semaphore, #tpu.memory_space<semaphore_mem>>) src(%arg13 : memref<104x64xf32, #tpu.memory_space<vmem>>) dst(%dma_wait3A_219 : memref<104x64xf32, #tpu.memory_space<hbm>>)
        tpu.yield
      }) : () -> ()
      %add3A_197 = arith.constant 8 : i32
      %add3A_198 = arith.addi %add3A_189, %add3A_197 : i32
      %lt3A_199 = arith.constant 128 : i32
      %lt3A_200 = arith.cmpi slt, %add3A_198, %lt3A_199 : i32
      %convert_element_type3A_201 = arith.extui %lt3A_200 : i1 to i32
      %cond3A_202 = arith.constant 0 : i32
      %cond3A_203 = arith.cmpi ne, %convert_element_type3A_201, %cond3A_202 : i32
      scf.if %cond3A_203 {
        %dma_start3A_204 = arith.constant 0 : i32
        %dma_start3A_205 = tpu.memref_slice %arg5[%add3A_198, %dma_start3A_204] : memref<128x104xi32, #tpu.memory_space<vmem>> -> memref<1x104xi32, #tpu.memory_space<vmem>>
        %dma_start3A_206 = tpu.memref_squeeze %dma_start3A_205 : memref<1x104xi32, #tpu.memory_space<vmem>> -> memref<104xi32, #tpu.memory_space<vmem>>
        %dma_start3A_207 = arith.constant 0 : i32
        %dma_start3A_208 = arith.constant 0 : i32
        %dma_start3A_209 = tpu.memref_slice %arg3[%dma_start3A_207, %dma_start3A_208] : memref<1000000x64xf32, #tpu.memory_space<hbm>> -> memref<1000000x64xf32, #tpu.memory_space<hbm>>
        tpu.enqueue_indirect_dma source(%dma_start3A_209 : memref<1000000x64xf32, #tpu.memory_space<hbm>>) target(%arg13 : memref<104x64xf32, #tpu.memory_space<vmem>>) offsets(%dma_start3A_206 : memref<104xi32, #tpu.memory_space<vmem>>) semaphore(%arg21 : memref<!tpu.dma_semaphore, #tpu.memory_space<semaphore_mem>>)
      } else {
      }
    }
    %scan3A_62 = arith.constant 16 : i32
    return
  }
}

</mosaic_0001>

<sc_bundles>
// kernel: kernel.3.cloned.1.call-start
scs
__scs_entry_jumppad:
0x0: {  	(pc) =	sbr.rel $0x88, $3  }
0x1: {  	(tag) =	ssettag $0x0;
	lr =	simm.s32 $0x1  }
0x2: {  	[smem:$0x3F9F] =	sst lr;
	_ =	strace $0xD0000000  }
0x3: {  	_ = 	snop  }
0x4: {  	_ = 	snop  }
0x5: {  	_ = 	snop  }
0x6: {  	_ = 	snop  }
0x7: {  	_ = 	snop  }
__scs_overlays_trampoline_lowered:
0x8: {  	[smem:$0x3FAE] =	sst s0  }
0x9: {  	[smem:$0x3FAF] =	sst s1  }
0xa: {  	[smem:$0x3FB0] =	sst s2  }
0xb: {  	[smem:$0x3FB1] =	sst s3  }
0xc: {  	[smem:$0x3FB2] =	sst s4  }
0xd: {  	[smem:$0x3FB3] =	sst s5  }
0xe: {  	[smem:$0x3FB4] =	sst s6  }
0xf: {  	[smem:$0x3FB5] =	sst s7  }
0x10: {  	[smem:$0x3FB6] =	sst s8  }
0x11: {  	[smem:$0x3FB7] =	sst s9;
	s0 =	simm.s32 @!p0 $0x0  }
0x12: {  	s1 =	sld [smem:$0x3F9D];
	s0 =	simm.s32 @p0 $0x1  }
0x13: {  	[smem:$0x3FB8] =	sst s0;
	s0 =	simm.s32 @!p1 $0x0  }
0x14: {  	s2 =	sld [smem:$0x3F9C];
	s0 =	simm.s32 @p1 $0x1  }
0x15: {  	[smem:$0x3FB9] =	sst s0;
	s0 =	simm.s32 @!p2 $0x0  }
0x16: {  	s3 =	sld [smem:$0x3FDB];
	s0 =	simm.s32 @p2 $0x1  }
0x17: {  	s4 =	simm.s32 $0x1BF5;
	[smem:$0x3FBB] =	sst s0  }
0x18: {  	s0 =	sld [smem:$0x3F9E];
	_ =	swait.ge [sflag:s4], $0x0  }
0x19: {  	s7 =	sld [smem:$0x3F9F]  }
0x1a: {  	s8 =	sadd.s32 $0xFFFFE003, lr  }
0x1b: {  	s9 =	sadd.s32 $0xFFFFFEF7, lr;
	s5 =	simm.s32 $0xFFFFFFFF;
	p2 =	slt.u32 s8, $0xFFFFF086  }
0x1c: {  	p1 =	slt.u32 s9, $0xF7A;
	s5 =	simm.s32 @!p2 $0x0  }
0x1d: {  	s5 =	simm.s32 @p1 $0x1;
	p0 =	seq.s32 s7, s2  }
0x1e: {  	s7 =	smul.u32 @!p0 $0xF7A, s2;
	p2 =	seq.s32 @!p0 s5, $0x0  }
0x1f: {  	s9 =	smul.u32 $0xF7A, s1;
	s8 =	simm.s32 @!p0 $0x1BF5;
	p2 =	por !p2, p0  }
0x20: {  	[sflag:s8] =	ssyncset.s32 @!p0 $0xFFFFF086;
	s6 =	sadd.s32 @!p0 s3, s7;
	s7 =	simm.s32 @!p0 $0x108  }
0x21: {  	s3 =	sadd.s32 s3, s9;
	s6 =	sadd.s32 @!p0 $0x88, s6;
	s7 =	simm.s32 @p2 $0x1082  }
0x22: {  	[simem:s7], [sflag:s8] =	dma.local @!p0 [hbm:s6], $0xF7A  }
0x23: {  	s9 =	sor.u32 $0xD0000000, s2;
	s6 =	simm.s32 $0x108;
	_ =	swait.ge @!p0 [sflag:s8], $0x0  }
0x24: {  	s3 =	sadd.s32 $0x88, s3;
	s6 =	simm.s32 @!p1 $0x1082;
	[sflag:s4] =	ssyncset.s32 $0xFFFFF086  }
0x25: {  	[simem:s6], [sflag:s4] =	dma.local [hbm:s3], $0xF7A  }
0x26: {  	[smem:$0x3F9F] =	sst s1;
	(tag) =	ssettag s2;
	_ =	strace s9  }
0x27: {  	s1 =	sld [smem:$0x3FAF]  }
0x28: {  	s2 =	sld [smem:$0x3FB0]  }
0x29: {  	s4 =	sld [smem:$0x3FB2]  }
0x2a: {  	p0 =	seq.s32 s5, $0x0;
	s5 =	sld [smem:$0x3FB3]  }
0x2b: {  	s6 =	sld [smem:$0x3FB4]  }
0x2c: {  	s7 =	sld [smem:$0x3FB5]  }
0x2d: {  	s3 =	simm.s32 $0x108;
	s8 =	sld [smem:$0x3FB6]  }
0x2e: {  	s3 =	simm.s32 @!p0 $0x1082;
	s9 =	sld [smem:$0x3FB7]  }
0x2f: {  	lr =	sadd.s32 s0, s3;
	s0 =	sld [smem:$0x3FAE]  }
0x30: {  	s3 =	sld [smem:$0x3FB1]  }
0x31: {  	[smem:$0x3FBA] =	sst s10  }
0x32: {  	s10 =	sld [smem:$0x3FB8];
	_ =	sdelay $0x3  }
0x33: {  	p0 =	seq.s32 s10, $0x1;
	s10 =	sld [smem:$0x3FBA];
	_ =	sdelay $0x3  }
0x34: {  	[smem:$0x3FBA] =	sst s10  }
0x35: {  	s10 =	sld [smem:$0x3FB9];
	_ =	sdelay $0x3  }
0x36: {  	p1 =	seq.s32 s10, $0x1;
	s10 =	sld [smem:$0x3FBA];
	_ =	sdelay $0x3  }
0x37: {  	[smem:$0x3FBA] =	sst s10  }
0x38: {  	s10 =	sld [smem:$0x3FBB]  }
0x39: {  	_ = 	snop;
	(pc) =	sbr.ind lr, $3  }
0x3a: {  	_ = 	snop  }
0x3b: {  	_ = 	snop  }
0x3c: {  	p2 =	seq.s32 s10, $0x1;
	s10 =	sld [smem:$0x3FBA]  }
0x3d: {  	_ =	shalt  }
0x3e: {  	_ =	shalt  }
0x3f: {  	_ =	shalt  }
0x40: {  	_ =	shalt  }
0x41: {  	_ =	shalt  }
0x42: {  	_ =	shalt  }
0x43: {  	_ =	shalt  }
0x44: {  	_ =	shalt  }
0x45: {  	_ =	shalt  }
0x46: {  	_ =	shalt  }
0x47: {  	_ =	shalt  }
0x48: {  	_ =	shalt  }
0x49: {  	_ =	shalt  }
0x4a: {  	_ =	shalt  }
0x4b: {  	_ =	shalt  }
0x4c: {  	_ =	shalt  }
0x4d: {  	_ =	shalt  }
0x4e: {  	_ =	shalt  }
0x4f: {  	_ =	shalt  }
0x50: {  	_ =	shalt  }
0x51: {  	_ =	shalt  }
0x52: {  	_ =	shalt  }
0x53: {  	_ =	shalt  }
0x54: {  	_ =	shalt  }
0x55: {  	_ =	shalt  }
0x56: {  	_ =	shalt  }
0x57: {  	_ =	shalt  }
0x58: {  	_ =	shalt  }
0x59: {  	_ =	shalt  }
0x5a: {  	_ =	shalt  }
0x5b: {  	_ =	shalt  }
0x5c: {  	_ =	shalt  }
0x5d: {  	_ =	shalt  }
0x5e: {  	_ =	shalt  }
0x5f: {  	_ =	shalt  }
0x60: {  	_ =	shalt  }
0x61: {  	_ =	shalt  }
0x62: {  	_ =	shalt  }
0x63: {  	_ =	shalt  }
0x64: {  	_ =	shalt  }
0x65: {  	_ =	shalt  }
0x66: {  	_ =	shalt  }
0x67: {  	_ =	shalt  }
0x68: {  	_ =	shalt  }
0x69: {  	_ =	shalt  }
0x6a: {  	_ =	shalt  }
0x6b: {  	_ =	shalt  }
0x6c: {  	_ =	shalt  }
0x6d: {  	_ =	shalt  }
0x6e: {  	_ =	shalt  }
0x6f: {  	_ =	shalt  }
0x70: {  	_ =	shalt  }
0x71: {  	_ =	shalt  }
0x72: {  	_ =	shalt  }
0x73: {  	_ =	shalt  }
0x74: {  	_ =	shalt  }
0x75: {  	_ =	shalt  }
0x76: {  	_ =	shalt  }
0x77: {  	_ =	shalt  }
0x78: {  	_ =	shalt  }
0x79: {  	_ =	shalt  }
0x7a: {  	_ =	shalt  }
0x7b: {  	_ =	shalt  }
0x7c: {  	_ =	shalt  }
0x7d: {  	_ =	shalt  }
0x7e: {  	_ =	shalt  }
0x7f: {  	_ =	shalt  }
0x80: {  	_ =	shalt  }
0x81: {  	_ =	shalt  }
0x82: {  	_ =	shalt  }
0x83: {  	_ =	shalt  }
0x84: {  	_ =	shalt  }
0x85: {  	_ =	shalt  }
0x86: {  	_ =	shalt  }
0x87: {  	_ =	shalt  }
.Lfunc_end0:
.L_simem_size_0:
called_computation.1_lowered:
.L_overlay_start_0:
0x88: {  	s2 =	sld [smem:$0x3FD9]  }
0x89: {  	s3 =	sld [smem:$0x3FFE];
	_ =	sdelay $0x1  }
0x8a: {  	s1 =	srdreg.scid  }
0x8b: {  	s0 =	sand.u32 $0x1, s1  }
0x8c: {  	s17 =	sshll.u32 s0, $0xA;
	s2 =	sadd.s32 s3, s2  }
0x8d: {  	s2 =	sadd.s32 s2, s17  }
0x8e: {  	[smem:$0x3FC6] =	sst s2  }
0x8f: {  	_ = 	snop  }
0x90: {  	s2 =	sld [smem:$0x3FD0];
	(tm) =	ssettm $0x1  }
0x91: {  	s18 =	sld [smem:$0x3FFB];
	_ =	sdelay $0x3  }
0x92: {  	_ =	strace s18  }
0x93: {  	s3 =	sld [smem:$0x3FFC];
	_ =	sdelay $0x3  }
0x94: {  	_ =	strace s3  }
0x95: {  	s3 =	sld [smem:$0x3FFD];
	_ =	sdelay $0x3  }
0x96: {  	_ =	strace s3  }
0x97: {  	_ =	strace $0x8FFFFFFF  }
0x98: {  	s19 =	sld [smem:$0x3FDB];
	_ =	sdelay $0x1  }
0x99: {  	s4 =	simm.s32 $_scs_section_size  }
0x9a: {  	s5 =	simm.s32 $_size__tile_overlayer_lowered;
	s6 =	simm.s32 $_tile_overlayer_lowered  }
0x9b: {  	s22 =	simm.s32 $0x1BFF;
	s21 =	sshll.u32 s6, $0x1;
	s3 =	sadd.s32 s4, s19  }
0x9c: {  	s7 =	simm.s32 $0x0;
	s20 =	sshll.u32 s5, $0x1;
	s5 =	sadd.s32 s21, s3  }
0x9d: {  	[timem:s7], [sflag:s22] =	dma.local [hbm:s5], s20  }
0x9e: {  	_ =	swait.ge [sflag:s22], s20  }
0x9f: {  	s4 =	ssub.s32 $0x0, s20;
	[sflag:s22] =	ssyncset.done $0x0  }
0xa0: {  	[sflag:s22] =	ssyncadd.s32 s4;
	_ =	sdelay $0x1  }
0xa1: {  	s23 =	simm.s32 $0x1B8B  }
0xa2: {  	_ =	swait.ge [sflag:s23], $0x1  }
0xa3: {  	[sflag:s23] =	ssyncset.done $0x0  }
0xa4: {  	s25 =	simm.s32 $0x1B8E;
	s24 =	sld [smem:$0x3FFE];
	[sflag:s23] =	ssyncadd.s32 $0xFFFFFFFF  }
0xa5: {  	s26 =	simm.s32 $execute0_lowered;
	[smem:$0x3FD2] =	sst s25  }
0xa6: {  	s5 =	sshll.u32 s26, $0x1;
	_ =	strace $0x80000046;
	[dreg:$0x1] =	wrdreg $0xFFFFFFFF  }
0xa7: {  	s28 =	simm.s32 $_size_execute0_lowered;
	s3 =	sadd.s32 s3, s5;
	[dreg:$0x0] =	wrdreg $0x0  }
0xa8: {  	s5 =	sshll.u32 s28, $0x1;
	[dreg:$0x2] =	wrdreg s3  }
0xa9: {  	[dreg:$0x3] =	wrdreg s5  }
0xaa: {  	[dreg:$0x4] =	wrdreg $0xC0  }
0xab: {  	_ =	task [dreg:s7], $0x5FFFF  }
0xac: {  	[dreg:$0x1] =	wrdreg $0xFFFFFFFF  }
0xad: {  	[dreg:$0x0] =	wrdreg $0x60  }
0xae: {  	[dreg:$0x2] =	wrdreg s24  }
0xaf: {  	[dreg:$0x3] =	wrdreg s2  }
0xb0: {  	[dreg:$0x4] =	wrdreg $0x9  }
0xb1: {  	_ =	task.clear_ibuf [dreg:s7], $0x5FFFF;
	_ =	strace $0x90000046  }
0xb2: {  	s29 =	simm.s32 $0x9;
	_ =	strace $0x80000048  }
0xb3: {  	_ =	swait.ge [sflag:s29], $0x1  }
0xb4: {  	[sflag:s29] =	ssyncadd.s32 $0xFFFFFFFF  }
0xb5: {  	_ =	strace $0x90000048  }
0xb6: {  	_ =	sfence  }
0xb7: {  	s30 =	sld [smem:$0x0];
	_ =	sdelay $0x2  }
0xb8: {  	s31 =	sshll.u32 s1, $0xD;
	s1 =	sshrl.u32 s1, $0x2  }
0xb9: {  	s3 =	sand.u32 $0x4000, s31;
	s1 =	sadd.s32 s1, s30  }
0xba: {  	s0 =	sor.u32 s3, s0;
	s1 =	sshll.u32 s1, $0x11  }
0xbb: {  	s0 =	sor.u32 s1, s0  }
0xbc: {  	s0 =	sadd.s32 $0x8F2B, s0  }
0xbd: {  	[sflag:s0] =	ssyncadd.remote.s32 $0x1  }
0xbe: {  	_ =	sfence.sel $0xFFFF  }
0xbf: {  	[dreg:$0x0] =	wrdreg $0xFFFFFFFF;
	(pc) =	sbr.abs _section_cstart, $3  }
0xc0: {  	[dreg:$0x1] =	wrdreg $0xFFFFFFFF  }
0xc1: {  	_ =	task.clear_ibuf [dreg:s7], $0x2FFFF;
	_ =	strace $0x9FFFFFFF  }
0xc2: {  	(tm) =	ssettm $0x7FFFFFFF  }
0xc3: {  	_ =	shalt  }
tec
execute0_lowered:
.L_overlay_start_1:
0x0: {  	(tag) =	ssettag $0x1  }
0x1: {  	s0 =	srdreg.scid;
	s1 =	rddreg [dreg:$0x0]  }
0x2: {  	s7 =	stileid.u32;
	s5 =	rddreg [dreg:$0x1];
	s2 =	simm.s32 $0x0  }
0x3: {  	s8 =	simm.s32 $0x68;
	s9 =	simm.s32 $0x3400;
	s10 =	simm.s32 $0x4E00  }
0x4: {  	s12 =	simm.s32 $0x6800;
	s14 =	simm.s32 $0x8200;
	s16 =	simm.s32 $0x9C00  }
0x5: {  	s18 =	simm.s32 $0xB600;
	s20 =	simm.s32 $0xD000;
	s21 =	simm.s32 $0x2D8  }
0x6: {  	s22 =	simm.s32 $0xEA00;
	s23 =	simm.s32 $0x1;
	s28 =	simm.s32 $0x5  }
0x7: {  	s29 =	simm.s32 $0x6;
	s30 =	simm.s32 $0x7;
	s0 =	sand.u32 $0x1, s0  }
0x8: {  	s3 =	sshll.u32 s7, $0x8;
	s7 =	smul.u32 $0x34000, s7;
	s4 =	sshll.u32 s0, $0x7  }
0x9: {  	s6 =	ssub.s32 $0x2, s0;
	s0 =	smul.u32 $0x1A000, s0;
	s3 =	sor.u32 s4, s3  }
0xa: {  	s31 =	simm.s32 $0x8;
	[smem:$0x7FF] =	sst s2;
	s3 =	smul.u32 $0xD, s3  }
.Ltmp0:
0xb: {  	_ =	strace $0x80000047;
	s26 =	sadd.s32 s7, s5;
	(pc) =	sbr.rel .LBB2_1-.Ltmp0, $4  }
0xc: {  	s25 =	sshrl.u32 s6, $0x1;
	s7 =	simm.s32 $0x9;
	s0 =	sadd.s32 s0, s26  }
0xd: {  	s26 =	simm.s32 $0x4;
	s24 =	sadd.s32 s3, s1;
	s3 =	sadd.s32 $0xF42E00, s1  }
0xe: {  	s1 =	ssub.s32 s6, s25;
	s25 =	simm.s32 $0x3;
	s4 =	sadd.s32 $0xA00, s24  }
0xf: {  	s5 =	smax.u32 s1, $0x1;
	s24 =	simm.s32 $0x2;
	s1 =	simm.s32 $0x0  }
.LBB2_4:
0x10: {  	s1 =	sadd.s32 $0x1, s1  }
0x11: {  	p0 =	sne.s32 s1, s5  }
.Ltmp1:
0x12: {  	_ = 	snop;
	(pc) =	sbr.rel @!p0 .LBB2_5-.Ltmp1, $1  }
0x13: {  	_ =	sdelay $0x3  }
.LBB2_1:
0x14: {  	[tilespmem:s2], [sflag:$0x9] =	stream.linear.gather [hbm4b:s4+s2], $0x3400, $0x38;
	[tilespmem:$0x10400] =	vst v63  }
0x15: {  	_ =	swait.ge [sflag:s7], $0x3400  }
0x16: {  	[sflag:s7] =	ssyncset.done $0x0  }
0x17: {  	[sflag:s7] =	ssyncadd.s32 $0xFFFFCC00  }
0x18: {  	[tilespmem:s9], [sflag:$0x1] =	stream.indirect.gather [hbm4b:s3+s8], $0x40, s2, s8, $0xb8;
	[tilespmem:$0x10400] =	vst v63  }
0x19: {  	_ = 	snop  }
0x1a: {  	[tilespmem:s10], [sflag:$0x2] =	stream.indirect.gather [hbm4b:s3+s8], $0x40, s8, s8, $0xb8;
	[tilespmem:$0x10400] =	vst v63  }
0x1b: {  	s6 =	simm.s32 $0xD0  }
0x1c: {  	[tilespmem:s12], [sflag:$0x3] =	stream.indirect.gather [hbm4b:s3+s8], $0x40, s6, s8, $0xb8;
	[tilespmem:$0x10400] =	vst v63  }
0x1d: {  	s13 =	simm.s32 $0x138  }
0x1e: {  	[tilespmem:s14], [sflag:$0x4] =	stream.indirect.gather [hbm4b:s3+s8], $0x40, s13, s8, $0xb8;
	[tilespmem:$0x10400] =	vst v63  }
0x1f: {  	s15 =	simm.s32 $0x1A0  }
0x20: {  	[tilespmem:s16], [sflag:$0x5] =	stream.indirect.gather [hbm4b:s3+s8], $0x40, s15, s8, $0xb8;
	[tilespmem:$0x10400] =	vst v63  }
0x21: {  	s17 =	simm.s32 $0x208  }
0x22: {  	[tilespmem:s18], [sflag:$0x6] =	stream.indirect.gather [hbm4b:s3+s8], $0x40, s17, s8, $0xb8;
	[tilespmem:$0x10400] =	vst v63  }
0x23: {  	s19 =	simm.s32 $0x270  }
0x24: {  	[tilespmem:s20], [sflag:$0x7] =	stream.indirect.gather [hbm4b:s3+s8], $0x40, s19, s8, $0xb8;
	[tilespmem:$0x10400] =	vst v63  }
0x25: {  	s11 =	simm.s32 $0x0;
	s6 =	smov.u32 s0  }
0x26: {  	[tilespmem:s22], [sflag:$0x8] =	stream.indirect.gather [hbm4b:s3+s8], $0x40, s21, s8, $0xb8;
	[tilespmem:$0x10400] =	vst v63  }
.LBB2_2:
0x27: {  	_ =	swait.ge [sflag:s23], $0x1A00  }
0x28: {  	[sflag:s23] =	ssyncset.done $0x0  }
0x29: {  	[sflag:s23] =	ssyncadd.s32 $0xFFFFE600  }
0x2a: {  	[hbm4b:s6+s2] =	stream.linear.scatter [tilespmem:s9], [sflag:$0x9], $0x1A00, $0x38;
	[tilespmem:$0x10400] =	vst v63  }
0x2b: {  	p0 =	seq.s32 s11, $0xC300;
	_ =	swait.ge [sflag:s7], $0x1A00  }
0x2c: {  	s13 =	sshra.s32 @!p0 s11, $0x2;
	s15 =	simm.s32 @!p0 $0x68;
	[sflag:s7] =	ssyncset.done $0x0  }
0x2d: {  	s19 =	simm.s32 @!p0 $0x3400;
	s17 =	sadd.s32 @!p0 $0x340, s13;
	[sflag:s7] =	ssyncadd.s32 $0xFFFFE600  }
0x2e: {  	[tilespmem:s19], [sflag:$0x1] =	stream.indirect.gather @!p0 [hbm4b:s3+s15], $0x40, s17, s15, $0xb8;
	[tilespmem:$0x10400] =	vst v63  }
0x2f: {  	_ =	swait.ge [sflag:s24], $0x1A00  }
0x30: {  	[sflag:s24] =	ssyncset.done $0x0  }
0x31: {  	s19 =	sadd.s32 $0x340, s6;
	[sflag:s24] =	ssyncadd.s32 $0xFFFFE600  }
0x32: {  	[hbm4b:s19+s2] =	stream.linear.scatter [tilespmem:s10], [sflag:$0x9], $0x1A00, $0x38;
	[tilespmem:$0x10400] =	vst v63  }
0x33: {  	_ =	swait.ge [sflag:s7], $0x1A00  }
0x34: {  	[sflag:s7] =	ssyncset.done $0x0  }
0x35: {  	s17 =	sadd.s32 @!p0 $0x3A8, s13;
	s19 =	simm.s32 @!p0 $0x4E00;
	[sflag:s7] =	ssyncadd.s32 $0xFFFFE600  }
0x36: {  	[tilespmem:s19], [sflag:$0x2] =	stream.indirect.gather @!p0 [hbm4b:s3+s15], $0x40, s17, s15, $0xb8;
	[tilespmem:$0x10400] =	vst v63  }
0x37: {  	_ =	swait.ge [sflag:s25], $0x1A00  }
0x38: {  	[sflag:s25] =	ssyncset.done $0x0  }
0x39: {  	s19 =	sadd.s32 $0x680, s6;
	[sflag:s25] =	ssyncadd.s32 $0xFFFFE600  }
0x3a: {  	[hbm4b:s19+s2] =	stream.linear.scatter [tilespmem:s12], [sflag:$0x9], $0x1A00, $0x38;
	[tilespmem:$0x10400] =	vst v63  }
0x3b: {  	_ =	swait.ge [sflag:s7], $0x1A00  }
0x3c: {  	[sflag:s7] =	ssyncset.done $0x0  }
0x3d: {  	s17 =	sadd.s32 @!p0 $0x410, s13;
	s19 =	simm.s32 @!p0 $0x6800;
	[sflag:s7] =	ssyncadd.s32 $0xFFFFE600  }
0x3e: {  	[tilespmem:s19], [sflag:$0x3] =	stream.indirect.gather @!p0 [hbm4b:s3+s15], $0x40, s17, s15, $0xb8;
	[tilespmem:$0x10400] =	vst v63  }
0x3f: {  	_ =	swait.ge [sflag:s26], $0x1A00  }
0x40: {  	[sflag:s26] =	ssyncset.done $0x0  }
0x41: {  	s19 =	sadd.s32 $0x9C0, s6;
	[sflag:s26] =	ssyncadd.s32 $0xFFFFE600  }
0x42: {  	[hbm4b:s19+s2] =	stream.linear.scatter [tilespmem:s14], [sflag:$0x9], $0x1A00, $0x38;
	[tilespmem:$0x10400] =	vst v63  }
0x43: {  	_ =	swait.ge [sflag:s7], $0x1A00  }
0x44: {  	[sflag:s7] =	ssyncset.done $0x0  }
0x45: {  	s17 =	sadd.s32 @!p0 $0x478, s13;
	s19 =	simm.s32 @!p0 $0x8200;
	[sflag:s7] =	ssyncadd.s32 $0xFFFFE600  }
0x46: {  	[tilespmem:s19], [sflag:$0x4] =	stream.indirect.gather @!p0 [hbm4b:s3+s15], $0x40, s17, s15, $0xb8;
	[tilespmem:$0x10400] =	vst v63  }
0x47: {  	_ =	swait.ge [sflag:s28], $0x1A00  }
0x48: {  	[sflag:s28] =	ssyncset.done $0x0  }
0x49: {  	s19 =	sadd.s32 $0xD00, s6;
	[sflag:s28] =	ssyncadd.s32 $0xFFFFE600  }
0x4a: {  	[hbm4b:s19+s2] =	stream.linear.scatter [tilespmem:s16], [sflag:$0x9], $0x1A00, $0x38;
	[tilespmem:$0x10400] =	vst v63  }
0x4b: {  	_ =	swait.ge [sflag:s7], $0x1A00  }
0x4c: {  	[sflag:s7] =	ssyncset.done $0x0  }
0x4d: {  	s17 =	sadd.s32 @!p0 $0x4E0, s13;
	s19 =	simm.s32 @!p0 $0x9C00;
	[sflag:s7] =	ssyncadd.s32 $0xFFFFE600  }
0x4e: {  	[tilespmem:s19], [sflag:$0x5] =	stream.indirect.gather @!p0 [hbm4b:s3+s15], $0x40, s17, s15, $0xb8;
	[tilespmem:$0x10400] =	vst v63  }
0x4f: {  	_ =	swait.ge [sflag:s29], $0x1A00  }
0x50: {  	[sflag:s29] =	ssyncset.done $0x0  }
0x51: {  	s19 =	sadd.s32 $0x1040, s6;
	[sflag:s29] =	ssyncadd.s32 $0xFFFFE600  }
0x52: {  	[hbm4b:s19+s2] =	stream.linear.scatter [tilespmem:s18], [sflag:$0x9], $0x1A00, $0x38;
	[tilespmem:$0x10400] =	vst v63  }
0x53: {  	_ =	swait.ge [sflag:s7], $0x1A00  }
0x54: {  	[sflag:s7] =	ssyncset.done $0x0  }
0x55: {  	s17 =	sadd.s32 @!p0 $0x548, s13;
	s19 =	simm.s32 @!p0 $0xB600;
	[sflag:s7] =	ssyncadd.s32 $0xFFFFE600  }
0x56: {  	[tilespmem:s19], [sflag:$0x6] =	stream.indirect.gather @!p0 [hbm4b:s3+s15], $0x40, s17, s15, $0xb8;
	[tilespmem:$0x10400] =	vst v63  }
0x57: {  	_ =	swait.ge [sflag:s30], $0x1A00  }
0x58: {  	[sflag:s30] =	ssyncset.done $0x0  }
0x59: {  	s19 =	sadd.s32 $0x1380, s6;
	[sflag:s30] =	ssyncadd.s32 $0xFFFFE600  }
0x5a: {  	[hbm4b:s19+s2] =	stream.linear.scatter [tilespmem:s20], [sflag:$0x9], $0x1A00, $0x38;
	[tilespmem:$0x10400] =	vst v63  }
0x5b: {  	_ =	swait.ge [sflag:s7], $0x1A00  }
0x5c: {  	[sflag:s7] =	ssyncset.done $0x0  }
0x5d: {  	s13 =	sadd.s32 @!p0 $0x5B0, s13;
	s17 =	simm.s32 @!p0 $0xD000;
	[sflag:s7] =	ssyncadd.s32 $0xFFFFE600  }
0x5e: {  	[tilespmem:s17], [sflag:$0x7] =	stream.indirect.gather @!p0 [hbm4b:s3+s15], $0x40, s13, s15, $0xb8;
	[tilespmem:$0x10400] =	vst v63  }
0x5f: {  	_ =	swait.ge [sflag:s31], $0x1A00  }
0x60: {  	[sflag:s31] =	ssyncset.done $0x0  }
.Ltmp2:
0x61: {  	s19 =	sadd.s32 $0x16C0, s6;
	[sflag:s31] =	ssyncadd.s32 $0xFFFFE600;
	(pc) =	sbr.rel @p0 .LBB2_4-.Ltmp2, $4  }
0x62: {  	[hbm4b:s19+s2] =	stream.linear.scatter [tilespmem:s22], [sflag:$0x9], $0x1A00, $0x38;
	[tilespmem:$0x10400] =	vst v63  }
0x63: {  	_ =	swait.ge [sflag:s7], $0x1A00  }
0x64: {  	[sflag:s7] =	ssyncset.done $0x0  }
0x65: {  	[sflag:s7] =	ssyncadd.s32 $0xFFFFE600  }
.Ltmp3:
0x66: {  	(pc) =	sbr.rel .LBB2_2-.Ltmp3, $4  }
0x67: {  	_ = 	snop  }
0x68: {  	s13 =	sshra.s32 s11, $0x2  }
0x69: {  	s11 =	sadd.s32 $0xD00, s11;
	s6 =	sadd.s32 $0x1A00, s6;
	s13 =	sadd.s32 $0x618, s13  }
0x6a: {  	[tilespmem:s22], [sflag:$0x8] =	stream.indirect.gather [hbm4b:s3+s8], $0x40, s13, s8, $0xb8;
	[tilespmem:$0x10400] =	vst v63  }
.LBB2_5:
0x6b: {  	_ =	sfence.sel $0x180000  }
0x6c: {  	[bflag:$0x0] =	sbarrier.arrive $0xFFFF  }
0x6d: {  	_ =	strace $0x90000047  }
0x6e: {  	s0 =	stileid.u32;
	[bflag:$0x2] =	sbarrier.arrive $0xFFFF  }
0x6f: {  	p0 =	sne.s32 s0, $0x0;
	s0 =	rddreg [dreg:$0x2]  }
0x70: {  	s0 =	sadd.s32 @!p0 $0x100000, s0  }
0x71: {  	[sflag:s0] =	ssyncadd.tile.s32 @!p0 $0x1;
	_ =	shalt  }
.Lfunc_end2:
_tile_overlayer_lowered:
.L_overlay_start_2:
0x72: {  	(tag) =	ssettag $0x2  }
0x73: {  	s0 =	rddreg [dreg:$0x0];
	s2 =	stileid.u32  }
0x74: {  	s1 =	rddreg [dreg:$0x1];
	p0 =	sne.s32 s2, $0x0  }
0x75: {  	s3 =	rddreg [dreg:$0x2];
	[bflag:$0x3] =	sbarrier.arrive $0xFFFF;
	s2 =	simm.s32 @!p0 $0x1C09  }
0x76: {  	[timem:s3], [sflag:s2] =	dma.local @!p0 [hbm:s0], s1  }
0x77: {  	s0 =	simm.s32 @!p0 $0x9  }
0x78: {  	_ =	swait.ge @!p0 [sflag:s0], s1  }
0x79: {  	s1 =	ssub.s32 @!p0 $0x0, s1;
	[sflag:s0] =	ssyncset.done @!p0 $0x0  }
0x7a: {  	[sflag:s0] =	ssyncadd.s32 @!p0 s1  }
0x7b: {  	[bflag:$0x3] =	sbarrier.arrive $0xFFFF  }
0x7c: {  	_ =	shalt  }

// kernel: sparse-core-data-format-call.cloned.1.call-start
scs
called_computation_lowered:
.L_overlay_start_0:
0x0: {  	s2 =	sld [smem:$0x3FD9]  }
0x1: {  	s3 =	sld [smem:$0x3FFE];
	_ =	sdelay $0x1  }
0x2: {  	s1 =	srdreg.scid  }
0x3: {  	s0 =	sand.u32 $0x1, s1  }
0x4: {  	s18 =	sshll.u32 s0, $0xA;
	s2 =	sadd.s32 s3, s2  }
0x5: {  	s2 =	sadd.s32 s2, s18  }
0x6: {  	[smem:$0x3FC6] =	sst s2  }
0x7: {  	_ = 	snop  }
0x8: {  	s2 =	sld [smem:$0x3FD0];
	(tm) =	ssettm $0x1  }
0x9: {  	s19 =	sld [smem:$0x3FFB];
	_ =	sdelay $0x3  }
0xa: {  	_ =	strace s19  }
0xb: {  	s3 =	sld [smem:$0x3FFC];
	_ =	sdelay $0x3  }
0xc: {  	_ =	strace s3  }
0xd: {  	s3 =	sld [smem:$0x3FFD];
	_ =	sdelay $0x3  }
0xe: {  	_ =	strace s3  }
0xf: {  	_ =	strace $0x8FFFFFFF  }
0x10: {  	s20 =	sld [smem:$0x3FDB];
	_ =	sdelay $0x1  }
0x11: {  	s4 =	simm.s32 $_scs_section_size  }
0x12: {  	s5 =	simm.s32 $_size__tile_overlayer_lowered;
	s6 =	simm.s32 $_tile_overlayer_lowered  }
0x13: {  	s23 =	simm.s32 $0x1BFF;
	s22 =	sshll.u32 s6, $0x1;
	s3 =	sadd.s32 s4, s20  }
0x14: {  	s7 =	simm.s32 $0x0;
	s21 =	sshll.u32 s5, $0x1;
	s5 =	sadd.s32 s22, s3  }
0x15: {  	[timem:s7], [sflag:s23] =	dma.local [hbm:s5], s21  }
0x16: {  	_ =	swait.ge [sflag:s23], s21  }
0x17: {  	s4 =	ssub.s32 $0x0, s21;
	[sflag:s23] =	ssyncset.done $0x0  }
0x18: {  	[sflag:s23] =	ssyncadd.s32 s4;
	_ =	sdelay $0x1  }
0x19: {  	s24 =	simm.s32 $0x1B8B  }
0x1a: {  	_ =	swait.ge [sflag:s24], $0x1  }
0x1b: {  	[sflag:s24] =	ssyncset.done $0x0  }
0x1c: {  	s26 =	simm.s32 $0x1B8E;
	s25 =	sld [smem:$0x3FFE];
	[sflag:s24] =	ssyncadd.s32 $0xFFFFFFFF  }
0x1d: {  	s27 =	simm.s32 $execute0_lowered;
	[smem:$0x3FD2] =	sst s26  }
0x1e: {  	s5 =	sshll.u32 s27, $0x1;
	_ =	strace $0x80000049;
	[dreg:$0x1] =	wrdreg $0xFFFFFFFF  }
0x1f: {  	s28 =	simm.s32 $_size_execute0_lowered;
	s3 =	sadd.s32 s3, s5;
	[dreg:$0x0] =	wrdreg $0x0  }
0x20: {  	s5 =	sshll.u32 s28, $0x1;
	[dreg:$0x2] =	wrdreg s3  }
0x21: {  	[dreg:$0x3] =	wrdreg s5  }
0x22: {  	[dreg:$0x4] =	wrdreg $0xC0  }
0x23: {  	_ =	task [dreg:s7], $0x5FFFF  }
0x24: {  	[dreg:$0x1] =	wrdreg $0xFFFFFFFF  }
0x25: {  	[dreg:$0x0] =	wrdreg $0x60  }
0x26: {  	[dreg:$0x2] =	wrdreg s25  }
0x27: {  	[dreg:$0x3] =	wrdreg s2  }
0x28: {  	[dreg:$0x4] =	wrdreg $0x9  }
0x29: {  	_ =	task.clear_ibuf [dreg:s7], $0x5FFFF;
	_ =	strace $0x90000049  }
0x2a: {  	s29 =	simm.s32 $0x9;
	_ =	strace $0x8000004B  }
0x2b: {  	_ =	swait.ge [sflag:s29], $0x1  }
0x2c: {  	[sflag:s29] =	ssyncadd.s32 $0xFFFFFFFF  }
0x2d: {  	_ =	strace $0x9000004B  }
0x2e: {  	_ =	sfence  }
0x2f: {  	s30 =	sld [smem:$0x0];
	_ =	sdelay $0x2  }
0x30: {  	s31 =	sshll.u32 s1, $0xD;
	s1 =	sshrl.u32 s1, $0x2  }
0x31: {  	s3 =	sand.u32 $0x4000, s31;
	s1 =	sadd.s32 s1, s30  }
0x32: {  	s0 =	sor.u32 s3, s0;
	s1 =	sshll.u32 s1, $0x11  }
0x33: {  	s0 =	sor.u32 s1, s0  }
0x34: {  	s0 =	sadd.s32 $0x8F2B, s0  }
0x35: {  	[sflag:s0] =	ssyncadd.remote.s32 $0x1  }
0x36: {  	_ =	sfence.sel $0xFFFF  }
0x37: {  	[dreg:$0x0] =	wrdreg $0xFFFFFFFF;
	(pc) =	sbr.abs _section_cstart, $3  }
0x38: {  	[dreg:$0x1] =	wrdreg $0xFFFFFFFF  }
0x39: {  	_ =	task.clear_ibuf [dreg:s7], $0x2FFFF;
	_ =	strace $0x9FFFFFFF  }
0x3a: {  	(tm) =	ssettm $0x7FFFFFFF  }
0x3b: {  	_ =	shalt  }
tec
execute0_lowered:
.L_overlay_start_1:
0x0: {  	(tag) =	ssettag $0x1  }
0x1: {  	s0 =	srdreg.scid  }
0x2: {  	s1 =	sshll.u32 s0, $0x4  }
0x3: {  	s0 =	stileid.u32;
	s1 =	sand.u32 $0x10, s1  }
0x4: {  	s1 =	sor.u32 s0, s1  }
0x5: {  	s6 =	rddreg [dreg:$0x0];
	s4 =	simm.s32 $0x1;
	s2 =	sshll.u32 s1, $0x7  }
0x6: {  	s7 =	simm.s32 $0x2;
	s12 =	simm.s32 $0x0;
	s1 =	ssub.s32 $0x4000, s2  }
0x7: {  	s8 =	simm.s32 $0x20000;
	s13 =	simm.s32 $0x0;
	s3 =	sand.u32 $0xF80, s1  }
0x8: {  	s9 =	simm.s32 $0x0;
	s5 =	sshrl.u32 s1, $0xC;
	p0 =	sne.s32 s3, $0x0  }
.Ltmp0:
0x9: {  	s1 =	rddreg [dreg:$0x2];
	s4 =	simm.s32 @!p0 $0x0;
	(pc) =	sbr.rel .LBB1_1-.Ltmp0, $4  }
0xa: {  	s11 =	simm.s32 $0x0;
	s3 =	rddreg [dreg:$0x1];
	s5 =	sadd.s32 s4, s5  }
0xb: {  	_ =	strace $0x8000004A;
	s4 =	simm.s32 $0x1;
	s5 =	smul.u32 $0x1A, s5  }
0xc: {  	s6 =	sadd.s32 $0xA00, s6;
	s10 =	smov.u32 s2;
	[sflag:s4] =	ssyncpa.u1 $0x0  }
0xd: {  	p0 =	por $0x0, $0x0;
	[sflag:s7] =	ssyncpa.u1 $0x0;
	s7 =	sor.u32 $0x1, s5  }
.LBB1_4:
0xe: {  	s16 =	sshll.u32 s13, $0x3;
	s17 =	sand.u32 $0x78, s13  }
0xf: {  	s30 =	sand.u32 $0x1F800, s13;
	s12 =	sshll.u32 s12, $0x11;
	s16 =	sand.u32 $0x3C00, s16  }
0x10: {  	[tilespmem:s15+$0x810 ss:$0x81] =	vst.msk $0xffff, v2;
	s31 =	sand.u32 $0x7, s13;
	s16 =	sor.u32 s17, s16;
	s17 =	sadd.s32 s3, s30  }
0x11: {  	[tilespmem:s15+$0x1020 ss:$0x81] =	vst.msk $0xffff, v0;
	s13 =	sshll.u32 s31, $0x12;
	s12 =	sadd.s32 s12, s17;
	s16 =	sshrl.u32 s16, $0x3  }
0x12: {  	[tilespmem:s15+$0x0 ss:$0x81] =	vst.msk $0xffff, v1;
	s13 =	sor.u32 $0x400, s13;
	s12 =	sadd.s32 s16, s12  }
0x13: {  	[hbm4b:s12+s13] =	stream.strided.scatter [tilespmem:s14], [sflag:$0x2], $0x2000, s8, s13, $0x20;
	[tilespmem:$0x8080] =	vst v63  }
.LBB1_5:
0x14: {  	s14 =	sadd.s32 $0x1, s9  }
0x15: {  	s12 =	sadd.s32 $0x1000, s10;
	s16 =	smov.u32 s10;
	p2 =	sgt.s32 s14, $0x19  }
0x16: {  	s16 =	smov.u32 @p2 s12  }
0x17: {  	s14 =	simm.s32 @p2 $0x0;
	p2 =	sgt.s32 s16, $0x3FFF  }
0x18: {  	s16 =	smov.u32 @p2 s2;
	p2 =	sne.s32 s11, s7  }
.Ltmp1:
0x19: {  	p1 =	slt.u32 s11, $0x2;
	(pc) =	sbr.rel @!p2 .LBB1_6-.Ltmp1, $4  }
0x1a: {  	s15 =	simm.s32 @!p1 $0x2  }
0x1b: {  	s13 =	smov.u32 s10;
	p0 =	por !p0, !p0;
	_ =	swait.ge @!p1 [sflag:s15], $0x2000  }
0x1c: {  	s12 =	smov.u32 s9;
	[sflag:s15] =	ssyncset.done @!p1 $0x0;
	s9 =	smov.u32 s14  }
0x1d: {  	s11 =	sadd.s32 $0x1, s11;
	[sflag:s15] =	ssyncadd.s32 @!p1 $0xFFFFE000;
	s10 =	smov.u32 s16  }
.LBB1_1:
0x1e: {  	p1 =	sge.u32 s11, s5  }
0x1f: {  	s31 =	sadd.s32 $0xFFFFFFFF, s11;
	s14 =	sxor.u32 @!p1 $0xFFFFFFFF, s11  }
0x20: {  	s15 =	sshll.u32 @!p1 s10, $0x9;
	s16 =	sshll.u32 @!p1 s9, $0x4;
	s17 =	simm.s32 @!p1 $0x1000  }
0x21: {  	s14 =	sshll.u32 @!p1 s14, $0xD;
	s16 =	sand.u32 @!p1 $0x1F0, s16;
	s15 =	sadd.s32 @!p1 s6, s15  }
0x22: {  	s14 =	sand.u32 @!p1 $0x2000, s14;
	s15 =	sadd.s32 @!p1 s16, s15;
	s16 =	simm.s32 @!p1 $0x40  }
0x23: {  	[tilespmem:s14], [sflag:$0x1] =	stream.strided.gather @!p1 [hbm4b:s15+s16], $0x2000, s17, s16, $0x38;
	[tilespmem:$0x8080] =	vst v63  }
0x24: {  	p1 =	sge.u32 s31, s5  }
.Ltmp2:
0x25: {  	_ = 	snop;
	(pc) =	sbr.rel @p1 .LBB1_5-.Ltmp2, $1  }
0x26: {  	_ =	sdelay $0x3  }
0x27: {  	s14 =	simm.s32 $0x1  }
0x28: {  	_ =	swait.ge [sflag:s4], $0x2000;
	s14 =	simm.s32 @!p0 $0x0  }
0x29: {  	[sflag:s4] =	ssyncset.done $0x0;
	s15 =	sshll.u32 s14, $0xD  }
0x2a: {  	[sflag:s4] =	ssyncadd.s32 $0xFFFFE000;
	s18 =	sor.u32 $0x20, s15  }
0x2b: {  	s14 =	smul.u32 $0x8100, s14;
	v3 =	vld [tilespmem:s18+$0x10]  }
0x2c: {  	s30 =	sand.u32 $0x1, s11;
	v2 =	vld [tilespmem:s18+$0xFFFFFFF0]  }
0x2d: {  	s15 =	smul.u32 $0x8100, s30;
	s14 =	sshrl.u32 s14, $0x2;
	v0 =	vld [tilespmem:s18+$0x0]  }
0x2e: {  	v1 =	vld [tilespmem:s18+$0xFFFFFFE0];
	s16 =	sor.u32 $0x4000, s14  }
0x2f: {  	s31 =	sshrl.u32 s15, $0x2;
	s15 =	sadd.s32 $0x0, s16  }
0x30: {  	s17 =	simm.s32 $0x4;
	s18 =	sadd.s32 $0x40, s18;
	s14 =	sor.u32 $0x4000, s31;
	[tilespmem:s15+$0x1830 ss:$0x81] =	vst.msk $0xffff, v3  }
.LBB1_3:
0x31: {  	v3 =	vld [tilespmem:s18+$0x10];
	p1 =	sne.s32 s17, $0x1FC;
	[tilespmem:s15+$0x810 ss:$0x81] =	vst.msk $0xffff, v2;
	s19 =	smov.u32 s17;
	s17 =	sadd.s32 $0x4, s17  }
.Ltmp3:
0x32: {  	v2 =	vld [tilespmem:s18+$0xFFFFFFF0];
	[tilespmem:s15+$0x1020 ss:$0x81] =	vst.msk $0xffff, v0;
	(pc) =	sbr.rel @p1 .LBB1_3-.Ltmp3, $4  }
0x33: {  	v0 =	vld [tilespmem:s18+$0x0];
	[tilespmem:s15+$0x0 ss:$0x81] =	vst.msk $0xffff, v1  }
0x34: {  	s15 =	sshra.s32 s19, $0x2;
	v1 =	vld [tilespmem:s18+$0xFFFFFFE0]  }
0x35: {  	s15 =	sadd.s32 s15, s16  }
0x36: {  	s18 =	sadd.s32 $0x40, s18;
	[tilespmem:s15+$0x1830 ss:$0x81] =	vst.msk $0xffff, v3  }
.Ltmp4:
0x37: {  	_ = 	snop;
	(pc) =	sbr.rel .LBB1_4-.Ltmp4, $1  }
0x38: {  	_ =	sdelay $0x3  }
.LBB1_6:
0x39: {  	_ =	sfence.sel $0x180000  }
0x3a: {  	s2 =	simm.s32 $0x1;
	[bflag:$0x0] =	sbarrier.arrive $0xFFFF  }
0x3b: {  	s31 =	simm.s32 $0x2;
	[sflag:s2] =	ssyncpa.u1 $0x1  }
0x3c: {  	[sflag:s31] =	ssyncpa.u1 $0x1  }
0x3d: {  	p0 =	sne.s32 s0, $0x0;
	_ =	strace $0x9000004A  }
0x3e: {  	s0 =	sadd.s32 @!p0 $0x100000, s1;
	[bflag:$0x2] =	sbarrier.arrive $0xFFFF  }
0x3f: {  	[sflag:s0] =	ssyncadd.tile.s32 @!p0 $0x1;
	_ =	shalt  }
.Lfunc_end1:
_tile_overlayer_lowered:
.L_overlay_start_2:
0x40: {  	(tag) =	ssettag $0x2  }
0x41: {  	s0 =	rddreg [dreg:$0x0];
	s2 =	stileid.u32  }
0x42: {  	s1 =	rddreg [dreg:$0x1];
	p0 =	sne.s32 s2, $0x0  }
0x43: {  	s3 =	rddreg [dreg:$0x2];
	[bflag:$0x3] =	sbarrier.arrive $0xFFFF;
	s2 =	simm.s32 @!p0 $0x1C01  }
0x44: {  	[timem:s3], [sflag:s2] =	dma.local @!p0 [hbm:s0], s1  }
0x45: {  	s0 =	simm.s32 @!p0 $0x1  }
0x46: {  	_ =	swait.ge @!p0 [sflag:s0], s1  }
0x47: {  	s1 =	ssub.s32 @!p0 $0x0, s1;
	[sflag:s0] =	ssyncset.done @!p0 $0x0  }
0x48: {  	[sflag:s0] =	ssyncadd.s32 @!p0 s1  }
0x49: {  	[bflag:$0x3] =	sbarrier.arrive $0xFFFF  }
0x4a: {  	_ =	shalt  }

</sc_bundles>
